<compile_context>
chip_gen: v7x
topology: tpu7x:2x2x1
jax: 0.10.2.dev20260603
libtpu: 0.0.44.dev20260713+nightly
codegen_flags: <defaults>
</compile_context>

<pallas_src>
import functools

import jax
import jax.numpy as jnp
from jax import lax
from jax.experimental import pallas as pl
from jax.experimental.pallas import tpu as pltpu
from jax.experimental.pallas import tpu_sc as plsc

N_NODES = 10000
N_PAD = 10240
E = 320000
D = 128

NC = 2
NS = 16
NW = NC * NS
EDGES_PER_W = E // NW
CHUNK = 152
NFULL = EDGES_PER_W // CHUNK
TAIL = EDGES_PER_W - NFULL * CHUNK
ZROWS = 128
ROWS_PER_TILE = N_PAD // NS


@functools.cache
def _sc_scatter():
    return functools.partial(
        pl.kernel,
        mesh=plsc.VectorSubcoreMesh(core_axis_name="c", subcore_axis_name="s"),
        compiler_params=pltpu.CompilerParams(use_tc_tiling_on_sc=False),
        out_type=jax.ShapeDtypeStruct((NC * N_NODES, D), jnp.float32),
        scratch_types=[
            pltpu.VMEM_SHARED((N_PAD, D), jnp.float32),
            pltpu.VMEM((EDGES_PER_W,), jnp.int32),
            pltpu.VMEM((CHUNK, D), jnp.float32),
            pltpu.VMEM((CHUNK, D), jnp.float32),
            pltpu.SemaphoreType.DMA,
            pltpu.SemaphoreType.DMA,
            pltpu.SemaphoreType.DMA,
            pltpu.SemaphoreType.DMA,
        ],
    )(_sc_scatter_body)


def _sc_scatter_body(dst_hbm, attr_hbm, out_hbm,
                     agg_sh, idx_v, rows0, rows1,
                     lsem0, lsem1, lsem2, lsem3):
    c = lax.axis_index("c")
    s = lax.axis_index("s")
    w = c * NS + s
    base_edge = w * EDGES_PER_W

    r0 = s * ROWS_PER_TILE
    pltpu.async_copy(dst_hbm.at[1, pl.ds(base_edge, EDGES_PER_W)], idx_v, lsem2)
    pltpu.async_copy(attr_hbm.at[pl.ds(base_edge, CHUNK)], rows0, lsem0)
    zero16 = jnp.zeros((16,), jnp.float32)

    def zbody(t, _):
        for j in range(D // 16):
            rows1[t, pl.ds(j * 16, 16)] = zero16
        return 0

    lax.fori_loop(0, ZROWS, zbody, 0)
    for k in range(ROWS_PER_TILE // ZROWS):
        pltpu.async_copy(rows1.at[pl.ds(0, ZROWS)],
                        agg_sh.at[pl.ds(r0 + k * ZROWS, ZROWS)], lsem3)
    for k in range(ROWS_PER_TILE // ZROWS):
        pltpu.make_async_copy(rows1.at[pl.ds(0, ZROWS)],
                              agg_sh.at[pl.ds(r0 + k * ZROWS, ZROWS)],
                              lsem3).wait()

    pltpu.make_async_copy(dst_hbm.at[1, pl.ds(base_edge, EDGES_PER_W)], idx_v,
                          lsem2).wait()

    plsc.subcore_barrier()

    rows = (rows0, rows1)
    lsems = (lsem0, lsem1)

    def start(i, b):
        pltpu.async_copy(attr_hbm.at[pl.ds(base_edge + i * CHUNK, CHUNK)],
                         rows[b], lsems[b])

    def finish(i, b):
        pltpu.make_async_copy(attr_hbm.at[pl.ds(base_edge + i * CHUNK, CHUNK)],
                              rows[b], lsems[b]).wait()
        pltpu.sync_copy(rows[b], agg_sh.at[idx_v.at[pl.ds(i * CHUNK, CHUNK)]], add=True)

    def body(g, _):
        i0 = 2 * g
        start(i0 + 1, 1)
        finish(i0, 0)

        @pl.when(i0 + 2 < NFULL)
        def _():
            start(i0 + 2, 0)
        finish(i0 + 1, 1)
        return 0

    lax.fori_loop(0, NFULL // 2, body, 0)

    pltpu.async_copy(attr_hbm.at[pl.ds(base_edge + NFULL * CHUNK, TAIL)],
                     rows1.at[pl.ds(0, TAIL)], lsem1)
    if NFULL % 2:
        finish(NFULL - 1, 0)
    pltpu.make_async_copy(attr_hbm.at[pl.ds(base_edge + NFULL * CHUNK, TAIL)],
                          rows1.at[pl.ds(0, TAIL)], lsem1).wait()
    pltpu.sync_copy(rows1.at[pl.ds(0, TAIL)],
                    agg_sh.at[idx_v.at[pl.ds(NFULL * CHUNK, TAIL)]], add=True)

    plsc.subcore_barrier()

    tail = N_NODES - (NS - 1) * ROWS_PER_TILE

    @pl.when(s == NS - 1)
    def _():
        pltpu.sync_copy(agg_sh.at[pl.ds(r0, tail)],
                        out_hbm.at[pl.ds(c * N_NODES + r0, tail)])

    @pl.when(s != NS - 1)
    def _():
        pltpu.sync_copy(agg_sh.at[pl.ds(r0, ROWS_PER_TILE)],
                        out_hbm.at[pl.ds(c * N_NODES + r0, ROWS_PER_TILE)])


_BR = 10000


def _tc_linear_body(p_ref, wt_ref, o_ref):
    s = p_ref[0] + p_ref[1]
    o_ref[...] = jnp.dot(s, wt_ref[...], preferred_element_type=jnp.float32)


_tc_linear = pl.pallas_call(
    _tc_linear_body,
    grid=(N_NODES // _BR,),
    in_specs=[
        pl.BlockSpec((NC, _BR, D), lambda i: (0, i, 0)),
        pl.BlockSpec((D, D), lambda i: (0, 0)),
    ],
    out_specs=pl.BlockSpec((_BR, D), lambda i: (i, 0)),
    out_shape=jax.ShapeDtypeStruct((N_NODES, D), jnp.float32),
)


@jax.jit
def kernel(edge_index, edge_attr, W):
    partials = _sc_scatter()(edge_index, edge_attr)
    return _tc_linear(partials.reshape(NC, N_NODES, D), W.T)

# --- scband reference (transcript-rebuilt; emitter-appended) ---
"""Pipeline reference for scband-aggregate-edges-22660247454117 (READ-ONLY COPY).

The authoritative reference and input builder live on the scoring server;
editing this copy changes nothing except your own understanding.
"""

import jax, jax.numpy as jnp
import numpy as np

N_NODES = 10000
E = 320000
D_IN = 128
D_OUT = 128

def setup_inputs(seed: int = 0) -> dict:
    key = jax.random.key(seed)
    k1, k2, k3 = jax.random.split(key, 3)
    edge_index = jax.random.randint(k1, (2, E), 0, N_NODES, dtype=jnp.int64 if jax.config.jax_enable_x64 else jnp.int32).astype(jnp.int32)
    edge_attr = jax.random.normal(k2, (E, D_IN), dtype=jnp.float32)
    # Linear(in_channels, out_channels, bias=False): weight shape [out, in]
    W = jax.random.normal(k3, (D_OUT, D_IN), dtype=jnp.float32) * (1.0 / np.sqrt(D_IN))
    return {"edge_index": edge_index, "edge_attr": edge_attr, "W": W}

def reference(edge_index, edge_attr, W):
    # rx = edge_index[1]; scatter_add edge_attr by dst node; then linear
    rx = edge_index[1]
    agg = jax.ops.segment_sum(edge_attr, rx, num_segments=N_NODES)
    out = agg @ W.T
    return out

if __name__ == "__main__":
    import jax
    _d = setup_inputs()
    print(jax.jit(kernel)(*tuple(_d.values())))

</pallas_src>

<mosaic_0001>
#map = affine_map<(d0, d1) -> (0, 0)>
module attributes {stable_mosaic.version = 14 : i64} {
  func.func @_sc_scatter_body(%arg0: i32, %arg1: i32, %arg2: memref<2x320000xi32, #tpu.memory_space<hbm>>, %arg3: memref<320000x128xf32, #tpu.memory_space<hbm>>, %arg4: memref<20000x128xf32, #tpu.memory_space<hbm>>, %arg5: memref<10240x128xf32, #tpu.memory_space<vmem_shared>>, %arg6: memref<10000xi32, #tpu.memory_space<vmem>>, %arg7: memref<152x128xf32, #tpu.memory_space<vmem>>, %arg8: memref<152x128xf32, #tpu.memory_space<vmem>>, %arg9: memref<!tpu.dma_semaphore, #tpu.memory_space<semaphore_mem>>, %arg10: memref<!tpu.dma_semaphore, #tpu.memory_space<semaphore_mem>>, %arg11: memref<!tpu.dma_semaphore, #tpu.memory_space<semaphore_mem>>, %arg12: memref<!tpu.dma_semaphore, #tpu.memory_space<semaphore_mem>>) attributes {dimension_semantics = [#tpu.dimension_semantics<core_parallel>, #tpu.dimension_semantics<subcore_parallel>], iteration_bounds = array<i64: 2, 16>, scalar_prefetch = 0 : i64, scratch_operands = 8 : i64, tpu.core_type = #tpu.core_type<sc_vector_subcore>, window_params = [{transform_indices = #map}, {transform_indices = #map}, {transform_indices = #map}]} {
    %mul3A = arith.constant 16 : i32
    %mul3A_0 = arith.muli %arg0, %mul3A : i32
    %add3A = arith.addi %mul3A_0, %arg1 : i32
    %mul3A_1 = arith.constant 10000 : i32
    %mul3A_2 = arith.muli %add3A, %mul3A_1 : i32
    %mul3A_3 = arith.constant 640 : i32
    %mul3A_4 = arith.muli %arg1, %mul3A_3 : i32
    %dma_start3A = arith.constant 1 : i32
    %dma_start3A_5 = tpu.memref_slice %arg2[%dma_start3A, %mul3A_2] : memref<2x320000xi32, #tpu.memory_space<hbm>> -> memref<1x10000xi32, #tpu.memory_space<hbm>>
    %dma_start3A_6 = tpu.memref_squeeze %dma_start3A_5 : memref<1x10000xi32, #tpu.memory_space<hbm>> -> memref<10000xi32, #tpu.memory_space<hbm>>
    %dma_start3A_7 = tpu.memref_slice %arg2[%dma_start3A, %mul3A_2] : memref<2x320000xi32, #tpu.memory_space<hbm>> -> memref<1x10000xi32, #tpu.memory_space<hbm>>
    %dma_start3A_8 = tpu.memref_squeeze %dma_start3A_7 : memref<1x10000xi32, #tpu.memory_space<hbm>> -> memref<10000xi32, #tpu.memory_space<hbm>>
    tpu.enqueue_dma source(%dma_start3A_8 : memref<10000xi32, #tpu.memory_space<hbm>>) target(%arg6 : memref<10000xi32, #tpu.memory_space<vmem>>) target_semaphore(%arg11 : memref<!tpu.dma_semaphore, #tpu.memory_space<semaphore_mem>>)
    %dma_start3A_9 = arith.constant 0 : i32
    %dma_start3A_10 = tpu.memref_slice %arg3[%mul3A_2, %dma_start3A_9] : memref<320000x128xf32, #tpu.memory_space<hbm>> -> memref<152x128xf32, #tpu.memory_space<hbm>>
    %dma_start3A_11 = arith.constant 0 : i32
    %dma_start3A_12 = tpu.memref_slice %arg3[%mul3A_2, %dma_start3A_11] : memref<320000x128xf32, #tpu.memory_space<hbm>> -> memref<152x128xf32, #tpu.memory_space<hbm>>
    tpu.enqueue_dma source(%dma_start3A_12 : memref<152x128xf32, #tpu.memory_space<hbm>>) target(%arg7 : memref<152x128xf32, #tpu.memory_space<vmem>>) target_semaphore(%arg9 : memref<!tpu.dma_semaphore, #tpu.memory_space<semaphore_mem>>)
    %broadcast_in_dim3A = arith.constant 0.000000e+00 : f32
    %broadcast_in_dim3A_13 = vector.broadcast %broadcast_in_dim3A : f32 to vector<16xf32>
    %scan3A = arith.constant 0 : i32
    %scan3A_14 = arith.constant 0 : i32
    %scan3A_15 = arith.constant 128 : i32
    %scan3A_16 = arith.addi %scan3A_14, %scan3A_15 : i32
    %scan3A_17 = arith.constant 1 : i32
    %scan3A_18 = scf.for %scan3A_188 = %scan3A_14 to %scan3A_16 step %scan3A_17 iter_args(%scan3A_189 = %scan3A) -> (i32)  : i32 {
      %swap3A = arith.index_cast %scan3A_188 : i32 to index
      %swap3A_190 = arith.constant 0 : index
      %swap3A_191 = tpu.vector_load %arg8[%swap3A, %swap3A_190] {strides = array<i32>} : memref<152x128xf32, #tpu.memory_space<vmem>>, vector<1x16xf32>,
      %swap3A_192 = vector.shape_cast %swap3A_191 : vector<1x16xf32> to vector<16xf32>
      %swap3A_193 = vector.shape_cast %broadcast_in_dim3A_13 : vector<16xf32> to vector<1x16xf32>
      tpu.vector_store %arg8[%swap3A, %swap3A_190], %swap3A_193 {strides = array<i32>} : memref<152x128xf32, #tpu.memory_space<vmem>>, vector<1x16xf32>,
      %swap3A_194 = arith.index_cast %scan3A_188 : i32 to index
      %swap3A_195 = arith.constant 16 : index
      %swap3A_196 = tpu.vector_load %arg8[%swap3A_194, %swap3A_195] {strides = array<i32>} : memref<152x128xf32, #tpu.memory_space<vmem>>, vector<1x16xf32>,
      %swap3A_197 = vector.shape_cast %swap3A_196 : vector<1x16xf32> to vector<16xf32>
      %swap3A_198 = vector.shape_cast %broadcast_in_dim3A_13 : vector<16xf32> to vector<1x16xf32>
      tpu.vector_store %arg8[%swap3A_194, %swap3A_195], %swap3A_198 {strides = array<i32>} : memref<152x128xf32, #tpu.memory_space<vmem>>, vector<1x16xf32>,
      %swap3A_199 = arith.index_cast %scan3A_188 : i32 to index
      %swap3A_200 = arith.constant 32 : index
      %swap3A_201 = tpu.vector_load %arg8[%swap3A_199, %swap3A_200] {strides = array<i32>} : memref<152x128xf32, #tpu.memory_space<vmem>>, vector<1x16xf32>,
      %swap3A_202 = vector.shape_cast %swap3A_201 : vector<1x16xf32> to vector<16xf32>
      %swap3A_203 = vector.shape_cast %broadcast_in_dim3A_13 : vector<16xf32> to vector<1x16xf32>
      tpu.vector_store %arg8[%swap3A_199, %swap3A_200], %swap3A_203 {strides = array<i32>} : memref<152x128xf32, #tpu.memory_space<vmem>>, vector<1x16xf32>,
      %swap3A_204 = arith.index_cast %scan3A_188 : i32 to index
      %swap3A_205 = arith.constant 48 : index
      %swap3A_206 = tpu.vector_load %arg8[%swap3A_204, %swap3A_205] {strides = array<i32>} : memref<152x128xf32, #tpu.memory_space<vmem>>, vector<1x16xf32>,
      %swap3A_207 = vector.shape_cast %swap3A_206 : vector<1x16xf32> to vector<16xf32>
      %swap3A_208 = vector.shape_cast %broadcast_in_dim3A_13 : vector<16xf32> to vector<1x16xf32>
      tpu.vector_store %arg8[%swap3A_204, %swap3A_205], %swap3A_208 {strides = array<i32>} : memref<152x128xf32, #tpu.memory_space<vmem>>, vector<1x16xf32>,
      %swap3A_209 = arith.index_cast %scan3A_188 : i32 to index
      %swap3A_210 = arith.constant 64 : index
      %swap3A_211 = tpu.vector_load %arg8[%swap3A_209, %swap3A_210] {strides = array<i32>} : memref<152x128xf32, #tpu.memory_space<vmem>>, vector<1x16xf32>,
      %swap3A_212 = vector.shape_cast %swap3A_211 : vector<1x16xf32> to vector<16xf32>
      %swap3A_213 = vector.shape_cast %broadcast_in_dim3A_13 : vector<16xf32> to vector<1x16xf32>
      tpu.vector_store %arg8[%swap3A_209, %swap3A_210], %swap3A_213 {strides = array<i32>} : memref<152x128xf32, #tpu.memory_space<vmem>>, vector<1x16xf32>,
      %swap3A_214 = arith.index_cast %scan3A_188 : i32 to index
      %swap3A_215 = arith.constant 80 : index
      %swap3A_216 = tpu.vector_load %arg8[%swap3A_214, %swap3A_215] {strides = array<i32>} : memref<152x128xf32, #tpu.memory_space<vmem>>, vector<1x16xf32>,
      %swap3A_217 = vector.shape_cast %swap3A_216 : vector<1x16xf32> to vector<16xf32>
      %swap3A_218 = vector.shape_cast %broadcast_in_dim3A_13 : vector<16xf32> to vector<1x16xf32>
      tpu.vector_store %arg8[%swap3A_214, %swap3A_215], %swap3A_218 {strides = array<i32>} : memref<152x128xf32, #tpu.memory_space<vmem>>, vector<1x16xf32>,
      %swap3A_219 = arith.index_cast %scan3A_188 : i32 to index
      %swap3A_220 = arith.constant 96 : index
      %swap3A_221 = tpu.vector_load %arg8[%swap3A_219, %swap3A_220] {strides = array<i32>} : memref<152x128xf32, #tpu.memory_space<vmem>>, vector<1x16xf32>,
      %swap3A_222 = vector.shape_cast %swap3A_221 : vector<1x16xf32> to vector<16xf32>
      %swap3A_223 = vector.shape_cast %broadcast_in_dim3A_13 : vector<16xf32> to vector<1x16xf32>
      tpu.vector_store %arg8[%swap3A_219, %swap3A_220], %swap3A_223 {strides = array<i32>} : memref<152x128xf32, #tpu.memory_space<vmem>>, vector<1x16xf32>,
      %swap3A_224 = arith.index_cast %scan3A_188 : i32 to index
      %swap3A_225 = arith.constant 112 : index
      %swap3A_226 = tpu.vector_load %arg8[%swap3A_224, %swap3A_225] {strides = array<i32>} : memref<152x128xf32, #tpu.memory_space<vmem>>, vector<1x16xf32>,
      %swap3A_227 = vector.shape_cast %swap3A_226 : vector<1x16xf32> to vector<16xf32>
      %swap3A_228 = vector.shape_cast %broadcast_in_dim3A_13 : vector<16xf32> to vector<1x16xf32>
      tpu.vector_store %arg8[%swap3A_224, %swap3A_225], %swap3A_228 {strides = array<i32>} : memref<152x128xf32, #tpu.memory_space<vmem>>, vector<1x16xf32>,
      %scan3A_229 = arith.constant 0 : i32
      scf.yield %scan3A_229 : i32
    }
    %scan3A_19 = arith.constant 128 : i32
    %add3A_20 = arith.constant 0 : i32
    %add3A_21 = arith.addi %mul3A_4, %add3A_20 : i32
    %dma_start3A_22 = arith.constant 0 : i32
    %dma_start3A_23 = arith.constant 0 : i32
    %dma_start3A_24 = tpu.memref_slice %arg8[%dma_start3A_22, %dma_start3A_23] : memref<152x128xf32, #tpu.memory_space<vmem>> -> memref<128x128xf32, #tpu.memory_space<vmem>>
    %dma_start3A_25 = arith.constant 0 : i32
    %dma_start3A_26 = tpu.memref_slice %arg5[%add3A_21, %dma_start3A_25] : memref<10240x128xf32, #tpu.memory_space<vmem_shared>> -> memref<128x128xf32, #tpu.memory_space<vmem_shared>>
    %dma_start3A_27 = arith.constant 0 : i32
    %dma_start3A_28 = tpu.memref_slice %arg5[%add3A_21, %dma_start3A_27] : memref<10240x128xf32, #tpu.memory_space<vmem_shared>> -> memref<128x128xf32, #tpu.memory_space<vmem_shared>>
    %dma_start3A_29 = arith.constant 0 : i32
    %dma_start3A_30 = arith.constant 0 : i32
    %dma_start3A_31 = tpu.memref_slice %arg8[%dma_start3A_29, %dma_start3A_30] : memref<152x128xf32, #tpu.memory_space<vmem>> -> memref<128x128xf32, #tpu.memory_space<vmem>>
    tpu.enqueue_dma source(%dma_start3A_31 : memref<128x128xf32, #tpu.memory_space<vmem>>) target(%dma_start3A_28 : memref<128x128xf32, #tpu.memory_space<vmem_shared>>) target_semaphore(%arg12 : memref<!tpu.dma_semaphore, #tpu.memory_space<semaphore_mem>>)
    %add3A_32 = arith.constant 128 : i32
    %add3A_33 = arith.addi %mul3A_4, %add3A_32 : i32
    %dma_start3A_34 = arith.constant 0 : i32
    %dma_start3A_35 = arith.constant 0 : i32
    %dma_start3A_36 = tpu.memref_slice %arg8[%dma_start3A_34, %dma_start3A_35] : memref<152x128xf32, #tpu.memory_space<vmem>> -> memref<128x128xf32, #tpu.memory_space<vmem>>
    %dma_start3A_37 = arith.constant 0 : i32
    %dma_start3A_38 = tpu.memref_slice %arg5[%add3A_33, %dma_start3A_37] : memref<10240x128xf32, #tpu.memory_space<vmem_shared>> -> memref<128x128xf32, #tpu.memory_space<vmem_shared>>
    %dma_start3A_39 = arith.constant 0 : i32
    %dma_start3A_40 = tpu.memref_slice %arg5[%add3A_33, %dma_start3A_39] : memref<10240x128xf32, #tpu.memory_space<vmem_shared>> -> memref<128x128xf32, #tpu.memory_space<vmem_shared>>
    %dma_start3A_41 = arith.constant 0 : i32
    %dma_start3A_42 = arith.constant 0 : i32
    %dma_start3A_43 = tpu.memref_slice %arg8[%dma_start3A_41, %dma_start3A_42] : memref<152x128xf32, #tpu.memory_space<vmem>> -> memref<128x128xf32, #tpu.memory_space<vmem>>
    tpu.enqueue_dma source(%dma_start3A_43 : memref<128x128xf32, #tpu.memory_space<vmem>>) target(%dma_start3A_40 : memref<128x128xf32, #tpu.memory_space<vmem_shared>>) target_semaphore(%arg12 : memref<!tpu.dma_semaphore, #tpu.memory_space<semaphore_mem>>)
    %add3A_44 = arith.constant 256 : i32
    %add3A_45 = arith.addi %mul3A_4, %add3A_44 : i32
    %dma_start3A_46 = arith.constant 0 : i32
    %dma_start3A_47 = arith.constant 0 : i32
    %dma_start3A_48 = tpu.memref_slice %arg8[%dma_start3A_46, %dma_start3A_47] : memref<152x128xf32, #tpu.memory_space<vmem>> -> memref<128x128xf32, #tpu.memory_space<vmem>>
    %dma_start3A_49 = arith.constant 0 : i32
    %dma_start3A_50 = tpu.memref_slice %arg5[%add3A_45, %dma_start3A_49] : memref<10240x128xf32, #tpu.memory_space<vmem_shared>> -> memref<128x128xf32, #tpu.memory_space<vmem_shared>>
    %dma_start3A_51 = arith.constant 0 : i32
    %dma_start3A_52 = tpu.memref_slice %arg5[%add3A_45, %dma_start3A_51] : memref<10240x128xf32, #tpu.memory_space<vmem_shared>> -> memref<128x128xf32, #tpu.memory_space<vmem_shared>>
    %dma_start3A_53 = arith.constant 0 : i32
    %dma_start3A_54 = arith.constant 0 : i32
    %dma_start3A_55 = tpu.memref_slice %arg8[%dma_start3A_53, %dma_start3A_54] : memref<152x128xf32, #tpu.memory_space<vmem>> -> memref<128x128xf32, #tpu.memory_space<vmem>>
    tpu.enqueue_dma source(%dma_start3A_55 : memref<128x128xf32, #tpu.memory_space<vmem>>) target(%dma_start3A_52 : memref<128x128xf32, #tpu.memory_space<vmem_shared>>) target_semaphore(%arg12 : memref<!tpu.dma_semaphore, #tpu.memory_space<semaphore_mem>>)
    %add3A_56 = arith.constant 384 : i32
    %add3A_57 = arith.addi %mul3A_4, %add3A_56 : i32
    %dma_start3A_58 = arith.constant 0 : i32
    %dma_start3A_59 = arith.constant 0 : i32
    %dma_start3A_60 = tpu.memref_slice %arg8[%dma_start3A_58, %dma_start3A_59] : memref<152x128xf32, #tpu.memory_space<vmem>> -> memref<128x128xf32, #tpu.memory_space<vmem>>
    %dma_start3A_61 = arith.constant 0 : i32
    %dma_start3A_62 = tpu.memref_slice %arg5[%add3A_57, %dma_start3A_61] : memref<10240x128xf32, #tpu.memory_space<vmem_shared>> -> memref<128x128xf32, #tpu.memory_space<vmem_shared>>
    %dma_start3A_63 = arith.constant 0 : i32
    %dma_start3A_64 = tpu.memref_slice %arg5[%add3A_57, %dma_start3A_63] : memref<10240x128xf32, #tpu.memory_space<vmem_shared>> -> memref<128x128xf32, #tpu.memory_space<vmem_shared>>
    %dma_start3A_65 = arith.constant 0 : i32
    %dma_start3A_66 = arith.constant 0 : i32
    %dma_start3A_67 = tpu.memref_slice %arg8[%dma_start3A_65, %dma_start3A_66] : memref<152x128xf32, #tpu.memory_space<vmem>> -> memref<128x128xf32, #tpu.memory_space<vmem>>
    tpu.enqueue_dma source(%dma_start3A_67 : memref<128x128xf32, #tpu.memory_space<vmem>>) target(%dma_start3A_64 : memref<128x128xf32, #tpu.memory_space<vmem_shared>>) target_semaphore(%arg12 : memref<!tpu.dma_semaphore, #tpu.memory_space<semaphore_mem>>)
    %add3A_68 = arith.constant 512 : i32
    %add3A_69 = arith.addi %mul3A_4, %add3A_68 : i32
    %dma_start3A_70 = arith.constant 0 : i32
    %dma_start3A_71 = arith.constant 0 : i32
    %dma_start3A_72 = tpu.memref_slice %arg8[%dma_start3A_70, %dma_start3A_71] : memref<152x128xf32, #tpu.memory_space<vmem>> -> memref<128x128xf32, #tpu.memory_space<vmem>>
    %dma_start3A_73 = arith.constant 0 : i32
    %dma_start3A_74 = tpu.memref_slice %arg5[%add3A_69, %dma_start3A_73] : memref<10240x128xf32, #tpu.memory_space<vmem_shared>> -> memref<128x128xf32, #tpu.memory_space<vmem_shared>>
    %dma_start3A_75 = arith.constant 0 : i32
    %dma_start3A_76 = tpu.memref_slice %arg5[%add3A_69, %dma_start3A_75] : memref<10240x128xf32, #tpu.memory_space<vmem_shared>> -> memref<128x128xf32, #tpu.memory_space<vmem_shared>>
    %dma_start3A_77 = arith.constant 0 : i32
    %dma_start3A_78 = arith.constant 0 : i32
    %dma_start3A_79 = tpu.memref_slice %arg8[%dma_start3A_77, %dma_start3A_78] : memref<152x128xf32, #tpu.memory_space<vmem>> -> memref<128x128xf32, #tpu.memory_space<vmem>>
    tpu.enqueue_dma source(%dma_start3A_79 : memref<128x128xf32, #tpu.memory_space<vmem>>) target(%dma_start3A_76 : memref<128x128xf32, #tpu.memory_space<vmem_shared>>) target_semaphore(%arg12 : memref<!tpu.dma_semaphore, #tpu.memory_space<semaphore_mem>>)
    %add3A_80 = arith.constant 0 : i32
    %add3A_81 = arith.addi %mul3A_4, %add3A_80 : i32
    %dma_wait3A = arith.constant 0 : i32
    %dma_wait3A_82 = arith.constant 0 : i32
    %dma_wait3A_83 = tpu.memref_slice %arg8[%dma_wait3A, %dma_wait3A_82] : memref<152x128xf32, #tpu.memory_space<vmem>> -> memref<128x128xf32, #tpu.memory_space<vmem>>
    %dma_wait3A_84 = arith.constant 0 : i32
    %dma_wait3A_85 = tpu.memref_slice %arg5[%add3A_81, %dma_wait3A_84] : memref<10240x128xf32, #tpu.memory_space<vmem_shared>> -> memref<128x128xf32, #tpu.memory_space<vmem_shared>>
    %dma_wait3A_86 = arith.constant 0 : i32
    %dma_wait3A_87 = tpu.memref_slice %arg5[%add3A_81, %dma_wait3A_86] : memref<10240x128xf32, #tpu.memory_space<vmem_shared>> -> memref<128x128xf32, #tpu.memory_space<vmem_shared>>
    %dma_wait3A_88 = arith.constant 0 : i32
    %dma_wait3A_89 = arith.constant 0 : i32
    %dma_wait3A_90 = tpu.memref_slice %arg8[%dma_wait3A_88, %dma_wait3A_89] : memref<152x128xf32, #tpu.memory_space<vmem>> -> memref<128x128xf32, #tpu.memory_space<vmem>>
    tpu.wait_dma2 semaphore(%arg12 : memref<!tpu.dma_semaphore, #tpu.memory_space<semaphore_mem>>) src(%dma_wait3A_90 : memref<128x128xf32, #tpu.memory_space<vmem>>) dst(%dma_wait3A_87 : memref<128x128xf32, #tpu.memory_space<vmem_shared>>)
    %add3A_91 = arith.constant 128 : i32
    %add3A_92 = arith.addi %mul3A_4, %add3A_91 : i32
    %dma_wait3A_93 = arith.constant 0 : i32
    %dma_wait3A_94 = arith.constant 0 : i32
    %dma_wait3A_95 = tpu.memref_slice %arg8[%dma_wait3A_93, %dma_wait3A_94] : memref<152x128xf32, #tpu.memory_space<vmem>> -> memref<128x128xf32, #tpu.memory_space<vmem>>
    %dma_wait3A_96 = arith.constant 0 : i32
    %dma_wait3A_97 = tpu.memref_slice %arg5[%add3A_92, %dma_wait3A_96] : memref<10240x128xf32, #tpu.memory_space<vmem_shared>> -> memref<128x128xf32, #tpu.memory_space<vmem_shared>>
    %dma_wait3A_98 = arith.constant 0 : i32
    %dma_wait3A_99 = tpu.memref_slice %arg5[%add3A_92, %dma_wait3A_98] : memref<10240x128xf32, #tpu.memory_space<vmem_shared>> -> memref<128x128xf32, #tpu.memory_space<vmem_shared>>
    %dma_wait3A_100 = arith.constant 0 : i32
    %dma_wait3A_101 = arith.constant 0 : i32
    %dma_wait3A_102 = tpu.memref_slice %arg8[%dma_wait3A_100, %dma_wait3A_101] : memref<152x128xf32, #tpu.memory_space<vmem>> -> memref<128x128xf32, #tpu.memory_space<vmem>>
    tpu.wait_dma2 semaphore(%arg12 : memref<!tpu.dma_semaphore, #tpu.memory_space<semaphore_mem>>) src(%dma_wait3A_102 : memref<128x128xf32, #tpu.memory_space<vmem>>) dst(%dma_wait3A_99 : memref<128x128xf32, #tpu.memory_space<vmem_shared>>)
    %add3A_103 = arith.constant 256 : i32
    %add3A_104 = arith.addi %mul3A_4, %add3A_103 : i32
    %dma_wait3A_105 = arith.constant 0 : i32
    %dma_wait3A_106 = arith.constant 0 : i32
    %dma_wait3A_107 = tpu.memref_slice %arg8[%dma_wait3A_105, %dma_wait3A_106] : memref<152x128xf32, #tpu.memory_space<vmem>> -> memref<128x128xf32, #tpu.memory_space<vmem>>
    %dma_wait3A_108 = arith.constant 0 : i32
    %dma_wait3A_109 = tpu.memref_slice %arg5[%add3A_104, %dma_wait3A_108] : memref<10240x128xf32, #tpu.memory_space<vmem_shared>> -> memref<128x128xf32, #tpu.memory_space<vmem_shared>>
    %dma_wait3A_110 = arith.constant 0 : i32
    %dma_wait3A_111 = tpu.memref_slice %arg5[%add3A_104, %dma_wait3A_110] : memref<10240x128xf32, #tpu.memory_space<vmem_shared>> -> memref<128x128xf32, #tpu.memory_space<vmem_shared>>
    %dma_wait3A_112 = arith.constant 0 : i32
    %dma_wait3A_113 = arith.constant 0 : i32
    %dma_wait3A_114 = tpu.memref_slice %arg8[%dma_wait3A_112, %dma_wait3A_113] : memref<152x128xf32, #tpu.memory_space<vmem>> -> memref<128x128xf32, #tpu.memory_space<vmem>>
    tpu.wait_dma2 semaphore(%arg12 : memref<!tpu.dma_semaphore, #tpu.memory_space<semaphore_mem>>) src(%dma_wait3A_114 : memref<128x128xf32, #tpu.memory_space<vmem>>) dst(%dma_wait3A_111 : memref<128x128xf32, #tpu.memory_space<vmem_shared>>)
    %add3A_115 = arith.constant 384 : i32
    %add3A_116 = arith.addi %mul3A_4, %add3A_115 : i32
    %dma_wait3A_117 = arith.constant 0 : i32
    %dma_wait3A_118 = arith.constant 0 : i32
    %dma_wait3A_119 = tpu.memref_slice %arg8[%dma_wait3A_117, %dma_wait3A_118] : memref<152x128xf32, #tpu.memory_space<vmem>> -> memref<128x128xf32, #tpu.memory_space<vmem>>
    %dma_wait3A_120 = arith.constant 0 : i32
    %dma_wait3A_121 = tpu.memref_slice %arg5[%add3A_116, %dma_wait3A_120] : memref<10240x128xf32, #tpu.memory_space<vmem_shared>> -> memref<128x128xf32, #tpu.memory_space<vmem_shared>>
    %dma_wait3A_122 = arith.constant 0 : i32
    %dma_wait3A_123 = tpu.memref_slice %arg5[%add3A_116, %dma_wait3A_122] : memref<10240x128xf32, #tpu.memory_space<vmem_shared>> -> memref<128x128xf32, #tpu.memory_space<vmem_shared>>
    %dma_wait3A_124 = arith.constant 0 : i32
    %dma_wait3A_125 = arith.constant 0 : i32
    %dma_wait3A_126 = tpu.memref_slice %arg8[%dma_wait3A_124, %dma_wait3A_125] : memref<152x128xf32, #tpu.memory_space<vmem>> -> memref<128x128xf32, #tpu.memory_space<vmem>>
    tpu.wait_dma2 semaphore(%arg12 : memref<!tpu.dma_semaphore, #tpu.memory_space<semaphore_mem>>) src(%dma_wait3A_126 : memref<128x128xf32, #tpu.memory_space<vmem>>) dst(%dma_wait3A_123 : memref<128x128xf32, #tpu.memory_space<vmem_shared>>)
    %add3A_127 = arith.constant 512 : i32
    %add3A_128 = arith.addi %mul3A_4, %add3A_127 : i32
    %dma_wait3A_129 = arith.constant 0 : i32
    %dma_wait3A_130 = arith.constant 0 : i32
    %dma_wait3A_131 = tpu.memref_slice %arg8[%dma_wait3A_129, %dma_wait3A_130] : memref<152x128xf32, #tpu.memory_space<vmem>> -> memref<128x128xf32, #tpu.memory_space<vmem>>
    %dma_wait3A_132 = arith.constant 0 : i32
    %dma_wait3A_133 = tpu.memref_slice %arg5[%add3A_128, %dma_wait3A_132] : memref<10240x128xf32, #tpu.memory_space<vmem_shared>> -> memref<128x128xf32, #tpu.memory_space<vmem_shared>>
    %dma_wait3A_134 = arith.constant 0 : i32
    %dma_wait3A_135 = tpu.memref_slice %arg5[%add3A_128, %dma_wait3A_134] : memref<10240x128xf32, #tpu.memory_space<vmem_shared>> -> memref<128x128xf32, #tpu.memory_space<vmem_shared>>
    %dma_wait3A_136 = arith.constant 0 : i32
    %dma_wait3A_137 = arith.constant 0 : i32
    %dma_wait3A_138 = tpu.memref_slice %arg8[%dma_wait3A_136, %dma_wait3A_137] : memref<152x128xf32, #tpu.memory_space<vmem>> -> memref<128x128xf32, #tpu.memory_space<vmem>>
    tpu.wait_dma2 semaphore(%arg12 : memref<!tpu.dma_semaphore, #tpu.memory_space<semaphore_mem>>) src(%dma_wait3A_138 : memref<128x128xf32, #tpu.memory_space<vmem>>) dst(%dma_wait3A_135 : memref<128x128xf32, #tpu.memory_space<vmem_shared>>)
    %dma_wait3A_139 = arith.constant 1 : i32
    %dma_wait3A_140 = tpu.memref_slice %arg2[%dma_wait3A_139, %mul3A_2] : memref<2x320000xi32, #tpu.memory_space<hbm>> -> memref<1x10000xi32, #tpu.memory_space<hbm>>
    %dma_wait3A_141 = tpu.memref_squeeze %dma_wait3A_140 : memref<1x10000xi32, #tpu.memory_space<hbm>> -> memref<10000xi32, #tpu.memory_space<hbm>>
    %dma_wait3A_142 = tpu.memref_slice %arg2[%dma_wait3A_139, %mul3A_2] : memref<2x320000xi32, #tpu.memory_space<hbm>> -> memref<1x10000xi32, #tpu.memory_space<hbm>>
    %dma_wait3A_143 = tpu.memref_squeeze %dma_wait3A_142 : memref<1x10000xi32, #tpu.memory_space<hbm>> -> memref<10000xi32, #tpu.memory_space<hbm>>
    tpu.wait_dma2 semaphore(%arg11 : memref<!tpu.dma_semaphore, #tpu.memory_space<semaphore_mem>>) src(%dma_wait3A_143 : memref<10000xi32, #tpu.memory_space<hbm>>) dst(%arg6 : memref<10000xi32, #tpu.memory_space<vmem>>)
    %barrier3A = arith.constant 0 : index
    tpu.barrier barrier_id(%barrier3A)
    %scan3A_144 = arith.constant 0 : i32
    %scan3A_145 = arith.constant 0 : i32
    %scan3A_146 = arith.constant 32 : i32
    %scan3A_147 = arith.addi %scan3A_145, %scan3A_146 : i32
    %scan3A_148 = arith.constant 1 : i32
    %scan3A_149 = scf.for %scan3A_188 = %scan3A_145 to %scan3A_147 step %scan3A_148 iter_args(%scan3A_189 = %scan3A_144) -> (i32)  : i32 {
      %mul3A_190 = arith.constant 2 : i32
      %mul3A_191 = arith.muli %mul3A_190, %scan3A_188 : i32
      %add3A_192 = arith.constant 1 : i32
      %add3A_193 = arith.addi %mul3A_191, %add3A_192 : i32
      %mul3A_194 = arith.constant 152 : i32
      %mul3A_195 = arith.muli %add3A_193, %mul3A_194 : i32
      %add3A_196 = arith.addi %mul3A_2, %mul3A_195 : i32
      %dma_start3A_197 = arith.constant 0 : i32
      %dma_start3A_198 = tpu.memref_slice %arg3[%add3A_196, %dma_start3A_197] : memref<320000x128xf32, #tpu.memory_space<hbm>> -> memref<152x128xf32, #tpu.memory_space<hbm>>
      %dma_start3A_199 = arith.constant 0 : i32
      %dma_start3A_200 = tpu.memref_slice %arg3[%add3A_196, %dma_start3A_199] : memref<320000x128xf32, #tpu.memory_space<hbm>> -> memref<152x128xf32, #tpu.memory_space<hbm>>
      tpu.enqueue_dma source(%dma_start3A_200 : memref<152x128xf32, #tpu.memory_space<hbm>>) target(%arg8 : memref<152x128xf32, #tpu.memory_space<vmem>>) target_semaphore(%arg10 : memref<!tpu.dma_semaphore, #tpu.memory_space<semaphore_mem>>)
      %mul3A_201 = arith.constant 152 : i32
      %mul3A_202 = arith.muli %mul3A_191, %mul3A_201 : i32
      %add3A_203 = arith.addi %mul3A_2, %mul3A_202 : i32
      %dma_wait3A_204 = arith.constant 0 : i32
      %dma_wait3A_205 = tpu.memref_slice %arg3[%add3A_203, %dma_wait3A_204] : memref<320000x128xf32, #tpu.memory_space<hbm>> -> memref<152x128xf32, #tpu.memory_space<hbm>>
      %dma_wait3A_206 = arith.constant 0 : i32
      %dma_wait3A_207 = tpu.memref_slice %arg3[%add3A_203, %dma_wait3A_206] : memref<320000x128xf32, #tpu.memory_space<hbm>> -> memref<152x128xf32, #tpu.memory_space<hbm>>
      tpu.wait_dma2 semaphore(%arg9 : memref<!tpu.dma_semaphore, #tpu.memory_space<semaphore_mem>>) src(%dma_wait3A_207 : memref<152x128xf32, #tpu.memory_space<hbm>>) dst(%arg7 : memref<152x128xf32, #tpu.memory_space<vmem>>)
      %mul3A_208 = arith.constant 152 : i32
      %mul3A_209 = arith.muli %mul3A_191, %mul3A_208 : i32
      "tpu.region"() ({
        %run_scoped3A = tpu.sem_alloc : memref<!tpu.dma_semaphore, #tpu.memory_space<semaphore_mem>>
        %dma_start3A_228 = tpu.memref_slice %arg6[%mul3A_209] : memref<10000xi32, #tpu.memory_space<vmem>> -> memref<152xi32, #tpu.memory_space<vmem>>
        %dma_start3A_229 = arith.constant 0 : i32
        %dma_start3A_230 = arith.constant 0 : i32
        %dma_start3A_231 = tpu.memref_slice %arg5[%dma_start3A_229, %dma_start3A_230] : memref<10240x128xf32, #tpu.memory_space<vmem_shared>> -> memref<10240x128xf32, #tpu.memory_space<vmem_shared>>
        tpu.enqueue_indirect_dma source(%arg7 : memref<152x128xf32, #tpu.memory_space<vmem>>) target(%dma_start3A_231 : memref<10240x128xf32, #tpu.memory_space<vmem_shared>>) offsets(%dma_start3A_228 : memref<152xi32, #tpu.memory_space<vmem>>) semaphore(%run_scoped3A : memref<!tpu.dma_semaphore, #tpu.memory_space<semaphore_mem>>) {add = true}
        %dma_wait3A_232 = tpu.memref_slice %arg6[%mul3A_209] : memref<10000xi32, #tpu.memory_space<vmem>> -> memref<152xi32, #tpu.memory_space<vmem>>
        %dma_wait3A_233 = arith.constant 0 : i32
        %dma_wait3A_234 = arith.constant 0 : i32
        %dma_wait3A_235 = tpu.memref_slice %arg5[%dma_wait3A_233, %dma_wait3A_234] : memref<10240x128xf32, #tpu.memory_space<vmem_shared>> -> memref<10240x128xf32, #tpu.memory_space<vmem_shared>>
        tpu.wait_indirect_dma semaphore(%run_scoped3A : memref<!tpu.dma_semaphore, #tpu.memory_space<semaphore_mem>>) src(%arg7 : memref<152x128xf32, #tpu.memory_space<vmem>>) dst(%dma_wait3A_235 : memref<10240x128xf32, #tpu.memory_space<vmem_shared>>)
        tpu.yield
      }) : () -> ()
      %add3A_210 = arith.constant 2 : i32
      %add3A_211 = arith.addi %mul3A_191, %add3A_210 : i32
      %lt3A = arith.constant 65 : i32
      %lt3A_212 = arith.cmpi slt, %add3A_211, %lt3A : i32
      %convert_element_type3A_213 = arith.extui %lt3A_212 : i1 to i32
      %cond3A_214 = arith.constant 0 : i32
      %cond3A_215 = arith.cmpi ne, %convert_element_type3A_213, %cond3A_214 : i32
      scf.if %cond3A_215 {
        %add3A_228 = arith.constant 2 : i32
        %add3A_229 = arith.addi %mul3A_191, %add3A_228 : i32
        %mul3A_230 = arith.constant 152 : i32
        %mul3A_231 = arith.muli %add3A_229, %mul3A_230 : i32
        %add3A_232 = arith.addi %mul3A_2, %mul3A_231 : i32
        %dma_start3A_233 = arith.constant 0 : i32
        %dma_start3A_234 = tpu.memref_slice %arg3[%add3A_232, %dma_start3A_233] : memref<320000x128xf32, #tpu.memory_space<hbm>> -> memref<152x128xf32, #tpu.memory_space<hbm>>
        %dma_start3A_235 = arith.constant 0 : i32
        %dma_start3A_236 = tpu.memref_slice %arg3[%add3A_232, %dma_start3A_235] : memref<320000x128xf32, #tpu.memory_space<hbm>> -> memref<152x128xf32, #tpu.memory_space<hbm>>
        tpu.enqueue_dma source(%dma_start3A_236 : memref<152x128xf32, #tpu.memory_space<hbm>>) target(%arg7 : memref<152x128xf32, #tpu.memory_space<vmem>>) target_semaphore(%arg9 : memref<!tpu.dma_semaphore, #tpu.memory_space<semaphore_mem>>)
      } else {
      }
      %add3A_216 = arith.constant 1 : i32
      %add3A_217 = arith.addi %mul3A_191, %add3A_216 : i32
      %mul3A_218 = arith.constant 152 : i32
      %mul3A_219 = arith.muli %add3A_217, %mul3A_218 : i32
      %add3A_220 = arith.addi %mul3A_2, %mul3A_219 : i32
      %dma_wait3A_221 = arith.constant 0 : i32
      %dma_wait3A_222 = tpu.memref_slice %arg3[%add3A_220, %dma_wait3A_221] : memref<320000x128xf32, #tpu.memory_space<hbm>> -> memref<152x128xf32, #tpu.memory_space<hbm>>
      %dma_wait3A_223 = arith.constant 0 : i32
      %dma_wait3A_224 = tpu.memref_slice %arg3[%add3A_220, %dma_wait3A_223] : memref<320000x128xf32, #tpu.memory_space<hbm>> -> memref<152x128xf32, #tpu.memory_space<hbm>>
      tpu.wait_dma2 semaphore(%arg10 : memref<!tpu.dma_semaphore, #tpu.memory_space<semaphore_mem>>) src(%dma_wait3A_224 : memref<152x128xf32, #tpu.memory_space<hbm>>) dst(%arg8 : memref<152x128xf32, #tpu.memory_space<vmem>>)
      %mul3A_225 = arith.constant 152 : i32
      %mul3A_226 = arith.muli %add3A_217, %mul3A_225 : i32
      "tpu.region"() ({
        %run_scoped3A = tpu.sem_alloc : memref<!tpu.dma_semaphore, #tpu.memory_space<semaphore_mem>>
        %dma_start3A_228 = tpu.memref_slice %arg6[%mul3A_226] : memref<10000xi32, #tpu.memory_space<vmem>> -> memref<152xi32, #tpu.memory_space<vmem>>
        %dma_start3A_229 = arith.constant 0 : i32
        %dma_start3A_230 = arith.constant 0 : i32
        %dma_start3A_231 = tpu.memref_slice %arg5[%dma_start3A_229, %dma_start3A_230] : memref<10240x128xf32, #tpu.memory_space<vmem_shared>> -> memref<10240x128xf32, #tpu.memory_space<vmem_shared>>
        tpu.enqueue_indirect_dma source(%arg8 : memref<152x128xf32, #tpu.memory_space<vmem>>) target(%dma_start3A_231 : memref<10240x128xf32, #tpu.memory_space<vmem_shared>>) offsets(%dma_start3A_228 : memref<152xi32, #tpu.memory_space<vmem>>) semaphore(%run_scoped3A : memref<!tpu.dma_semaphore, #tpu.memory_space<semaphore_mem>>) {add = true}
        %dma_wait3A_232 = tpu.memref_slice %arg6[%mul3A_226] : memref<10000xi32, #tpu.memory_space<vmem>> -> memref<152xi32, #tpu.memory_space<vmem>>
        %dma_wait3A_233 = arith.constant 0 : i32
        %dma_wait3A_234 = arith.constant 0 : i32
        %dma_wait3A_235 = tpu.memref_slice %arg5[%dma_wait3A_233, %dma_wait3A_234] : memref<10240x128xf32, #tpu.memory_space<vmem_shared>> -> memref<10240x128xf32, #tpu.memory_space<vmem_shared>>
        tpu.wait_indirect_dma semaphore(%run_scoped3A : memref<!tpu.dma_semaphore, #tpu.memory_space<semaphore_mem>>) src(%arg8 : memref<152x128xf32, #tpu.memory_space<vmem>>) dst(%dma_wait3A_235 : memref<10240x128xf32, #tpu.memory_space<vmem_shared>>)
        tpu.yield
      }) : () -> ()
      %scan3A_227 = arith.constant 0 : i32
      scf.yield %scan3A_227 : i32
    }
    %scan3A_150 = arith.constant 32 : i32
    %add3A_151 = arith.constant 9880 : i32
    %add3A_152 = arith.addi %mul3A_2, %add3A_151 : i32
    %dma_start3A_153 = arith.constant 0 : i32
    %dma_start3A_154 = arith.constant 0 : i32
    %dma_start3A_155 = tpu.memref_slice %arg8[%dma_start3A_153, %dma_start3A_154] : memref<152x128xf32, #tpu.memory_space<vmem>> -> memref<120x128xf32, #tpu.memory_space<vmem>>
    %dma_start3A_156 = arith.constant 0 : i32
    %dma_start3A_157 = tpu.memref_slice %arg3[%add3A_152, %dma_start3A_156] : memref<320000x128xf32, #tpu.memory_space<hbm>> -> memref<120x128xf32, #tpu.memory_space<hbm>>
    %dma_start3A_158 = arith.constant 0 : i32
    %dma_start3A_159 = arith.constant 0 : i32
    %dma_start3A_160 = tpu.memref_slice %arg8[%dma_start3A_158, %dma_start3A_159] : memref<152x128xf32, #tpu.memory_space<vmem>> -> memref<120x128xf32, #tpu.memory_space<vmem>>
    %dma_start3A_161 = arith.constant 0 : i32
    %dma_start3A_162 = tpu.memref_slice %arg3[%add3A_152, %dma_start3A_161] : memref<320000x128xf32, #tpu.memory_space<hbm>> -> memref<120x128xf32, #tpu.memory_space<hbm>>
    tpu.enqueue_dma source(%dma_start3A_162 : memref<120x128xf32, #tpu.memory_space<hbm>>) target(%dma_start3A_160 : memref<120x128xf32, #tpu.memory_space<vmem>>) target_semaphore(%arg10 : memref<!tpu.dma_semaphore, #tpu.memory_space<semaphore_mem>>)
    %add3A_163 = arith.constant 9728 : i32
    %add3A_164 = arith.addi %mul3A_2, %add3A_163 : i32
    %dma_wait3A_165 = arith.constant 0 : i32
    %dma_wait3A_166 = tpu.memref_slice %arg3[%add3A_164, %dma_wait3A_165] : memref<320000x128xf32, #tpu.memory_space<hbm>> -> memref<152x128xf32, #tpu.memory_space<hbm>>
    %dma_wait3A_167 = arith.constant 0 : i32
    %dma_wait3A_168 = tpu.memref_slice %arg3[%add3A_164, %dma_wait3A_167] : memref<320000x128xf32, #tpu.memory_space<hbm>> -> memref<152x128xf32, #tpu.memory_space<hbm>>
    tpu.wait_dma2 semaphore(%arg9 : memref<!tpu.dma_semaphore, #tpu.memory_space<semaphore_mem>>) src(%dma_wait3A_168 : memref<152x128xf32, #tpu.memory_space<hbm>>) dst(%arg7 : memref<152x128xf32, #tpu.memory_space<vmem>>)
    "tpu.region"() ({
      %run_scoped3A = tpu.sem_alloc : memref<!tpu.dma_semaphore, #tpu.memory_space<semaphore_mem>>
      %dma_start3A_188 = arith.constant 9728 : i32
      %dma_start3A_189 = tpu.memref_slice %arg6[%dma_start3A_188] : memref<10000xi32, #tpu.memory_space<vmem>> -> memref<152xi32, #tpu.memory_space<vmem>>
      %dma_start3A_190 = arith.constant 0 : i32
      %dma_start3A_191 = arith.constant 0 : i32
      %dma_start3A_192 = tpu.memref_slice %arg5[%dma_start3A_190, %dma_start3A_191] : memref<10240x128xf32, #tpu.memory_space<vmem_shared>> -> memref<10240x128xf32, #tpu.memory_space<vmem_shared>>
      tpu.enqueue_indirect_dma source(%arg7 : memref<152x128xf32, #tpu.memory_space<vmem>>) target(%dma_start3A_192 : memref<10240x128xf32, #tpu.memory_space<vmem_shared>>) offsets(%dma_start3A_189 : memref<152xi32, #tpu.memory_space<vmem>>) semaphore(%run_scoped3A : memref<!tpu.dma_semaphore, #tpu.memory_space<semaphore_mem>>) {add = true}
      %dma_wait3A_193 = arith.constant 9728 : i32
      %dma_wait3A_194 = tpu.memref_slice %arg6[%dma_wait3A_193] : memref<10000xi32, #tpu.memory_space<vmem>> -> memref<152xi32, #tpu.memory_space<vmem>>
      %dma_wait3A_195 = arith.constant 0 : i32
      %dma_wait3A_196 = arith.constant 0 : i32
      %dma_wait3A_197 = tpu.memref_slice %arg5[%dma_wait3A_195, %dma_wait3A_196] : memref<10240x128xf32, #tpu.memory_space<vmem_shared>> -> memref<10240x128xf32, #tpu.memory_space<vmem_shared>>
      tpu.wait_indirect_dma semaphore(%run_scoped3A : memref<!tpu.dma_semaphore, #tpu.memory_space<semaphore_mem>>) src(%arg7 : memref<152x128xf32, #tpu.memory_space<vmem>>) dst(%dma_wait3A_197 : memref<10240x128xf32, #tpu.memory_space<vmem_shared>>)
      tpu.yield
    }) : () -> ()
    %add3A_169 = arith.constant 9880 : i32
    %add3A_170 = arith.addi %mul3A_2, %add3A_169 : i32
    %dma_wait3A_171 = arith.constant 0 : i32
    %dma_wait3A_172 = arith.constant 0 : i32
    %dma_wait3A_173 = tpu.memref_slice %arg8[%dma_wait3A_171, %dma_wait3A_172] : memref<152x128xf32, #tpu.memory_space<vmem>> -> memref<120x128xf32, #tpu.memory_space<vmem>>
    %dma_wait3A_174 = arith.constant 0 : i32
    %dma_wait3A_175 = tpu.memref_slice %arg3[%add3A_170, %dma_wait3A_174] : memref<320000x128xf32, #tpu.memory_space<hbm>> -> memref<120x128xf32, #tpu.memory_space<hbm>>
    %dma_wait3A_176 = arith.constant 0 : i32
    %dma_wait3A_177 = arith.constant 0 : i32
    %dma_wait3A_178 = tpu.memref_slice %arg8[%dma_wait3A_176, %dma_wait3A_177] : memref<152x128xf32, #tpu.memory_space<vmem>> -> memref<120x128xf32, #tpu.memory_space<vmem>>
    %dma_wait3A_179 = arith.constant 0 : i32
    %dma_wait3A_180 = tpu.memref_slice %arg3[%add3A_170, %dma_wait3A_179] : memref<320000x128xf32, #tpu.memory_space<hbm>> -> memref<120x128xf32, #tpu.memory_space<hbm>>
    tpu.wait_dma2 semaphore(%arg10 : memref<!tpu.dma_semaphore, #tpu.memory_space<semaphore_mem>>) src(%dma_wait3A_180 : memref<120x128xf32, #tpu.memory_space<hbm>>) dst(%dma_wait3A_178 : memref<120x128xf32, #tpu.memory_space<vmem>>)
    "tpu.region"() ({
      %run_scoped3A = tpu.sem_alloc : memref<!tpu.dma_semaphore, #tpu.memory_space<semaphore_mem>>
      %dma_start3A_188 = arith.constant 0 : i32
      %dma_start3A_189 = arith.constant 0 : i32
      %dma_start3A_190 = tpu.memref_slice %arg8[%dma_start3A_188, %dma_start3A_189] : memref<152x128xf32, #tpu.memory_space<vmem>> -> memref<120x128xf32, #tpu.memory_space<vmem>>
      %dma_start3A_191 = arith.constant 9880 : i32
      %dma_start3A_192 = tpu.memref_slice %arg6[%dma_start3A_191] : memref<10000xi32, #tpu.memory_space<vmem>> -> memref<120xi32, #tpu.memory_space<vmem>>
      %dma_start3A_193 = arith.constant 0 : i32
      %dma_start3A_194 = arith.constant 0 : i32
      %dma_start3A_195 = tpu.memref_slice %arg5[%dma_start3A_193, %dma_start3A_194] : memref<10240x128xf32, #tpu.memory_space<vmem_shared>> -> memref<10240x128xf32, #tpu.memory_space<vmem_shared>>
      tpu.enqueue_indirect_dma source(%dma_start3A_190 : memref<120x128xf32, #tpu.memory_space<vmem>>) target(%dma_start3A_195 : memref<10240x128xf32, #tpu.memory_space<vmem_shared>>) offsets(%dma_start3A_192 : memref<120xi32, #tpu.memory_space<vmem>>) semaphore(%run_scoped3A : memref<!tpu.dma_semaphore, #tpu.memory_space<semaphore_mem>>) {add = true}
      %dma_wait3A_196 = arith.constant 0 : i32
      %dma_wait3A_197 = arith.constant 0 : i32
      %dma_wait3A_198 = tpu.memref_slice %arg8[%dma_wait3A_196, %dma_wait3A_197] : memref<152x128xf32, #tpu.memory_space<vmem>> -> memref<120x128xf32, #tpu.memory_space<vmem>>
      %dma_wait3A_199 = arith.constant 9880 : i32
      %dma_wait3A_200 = tpu.memref_slice %arg6[%dma_wait3A_199] : memref<10000xi32, #tpu.memory_space<vmem>> -> memref<120xi32, #tpu.memory_space<vmem>>
      %dma_wait3A_201 = arith.constant 0 : i32
      %dma_wait3A_202 = arith.constant 0 : i32
      %dma_wait3A_203 = tpu.memref_slice %arg5[%dma_wait3A_201, %dma_wait3A_202] : memref<10240x128xf32, #tpu.memory_space<vmem_shared>> -> memref<10240x128xf32, #tpu.memory_space<vmem_shared>>
      tpu.wait_indirect_dma semaphore(%run_scoped3A : memref<!tpu.dma_semaphore, #tpu.memory_space<semaphore_mem>>) src(%dma_wait3A_198 : memref<120x128xf32, #tpu.memory_space<vmem>>) dst(%dma_wait3A_203 : memref<10240x128xf32, #tpu.memory_space<vmem_shared>>)
      tpu.yield
    }) : () -> ()
    %barrier3A_181 = arith.constant 0 : index
    tpu.barrier barrier_id(%barrier3A_181)
    %eq3A = arith.constant 15 : i32
    %eq3A_182 = arith.cmpi eq, %arg1, %eq3A : i32
    %convert_element_type3A = arith.extui %eq3A_182 : i1 to i32
    %cond3A = arith.constant 0 : i32
    %cond3A_183 = arith.cmpi ne, %convert_element_type3A, %cond3A : i32
    scf.if %cond3A_183 {
      %mul3A_188 = arith.constant 10000 : i32
      %mul3A_189 = arith.muli %arg0, %mul3A_188 : i32
      %add3A_190 = arith.addi %mul3A_189, %mul3A_4 : i32
      "tpu.region"() ({
        %run_scoped3A = tpu.sem_alloc : memref<!tpu.dma_semaphore, #tpu.memory_space<semaphore_mem>>
        %dma_start3A_191 = arith.constant 0 : i32
        %dma_start3A_192 = tpu.memref_slice %arg4[%add3A_190, %dma_start3A_191] : memref<20000x128xf32, #tpu.memory_space<hbm>> -> memref<400x128xf32, #tpu.memory_space<hbm>>
        %dma_start3A_193 = arith.constant 0 : i32
        %dma_start3A_194 = tpu.memref_slice %arg5[%mul3A_4, %dma_start3A_193] : memref<10240x128xf32, #tpu.memory_space<vmem_shared>> -> memref<400x128xf32, #tpu.memory_space<vmem_shared>>
        tpu.enqueue_dma source(%dma_start3A_194 : memref<400x128xf32, #tpu.memory_space<vmem_shared>>) target(%dma_start3A_192 : memref<400x128xf32, #tpu.memory_space<hbm>>) target_semaphore(%run_scoped3A : memref<!tpu.dma_semaphore, #tpu.memory_space<semaphore_mem>>)
        %dma_wait3A_195 = arith.constant 0 : i32
        %dma_wait3A_196 = tpu.memref_slice %arg4[%add3A_190, %dma_wait3A_195] : memref<20000x128xf32, #tpu.memory_space<hbm>> -> memref<400x128xf32, #tpu.memory_space<hbm>>
        %dma_wait3A_197 = arith.constant 0 : i32
        %dma_wait3A_198 = tpu.memref_slice %arg5[%mul3A_4, %dma_wait3A_197] : memref<10240x128xf32, #tpu.memory_space<vmem_shared>> -> memref<400x128xf32, #tpu.memory_space<vmem_shared>>
        tpu.wait_dma2 semaphore(%run_scoped3A : memref<!tpu.dma_semaphore, #tpu.memory_space<semaphore_mem>>) src(%dma_wait3A_198 : memref<400x128xf32, #tpu.memory_space<vmem_shared>>) dst(%dma_wait3A_196 : memref<400x128xf32, #tpu.memory_space<hbm>>)
        tpu.yield
      }) : () -> ()
    } else {
    }
    %ne3A = arith.constant 15 : i32
    %ne3A_184 = arith.cmpi ne, %arg1, %ne3A : i32
    %convert_element_type3A_185 = arith.extui %ne3A_184 : i1 to i32
    %cond3A_186 = arith.constant 0 : i32
    %cond3A_187 = arith.cmpi ne, %convert_element_type3A_185, %cond3A_186 : i32
    scf.if %cond3A_187 {
      %mul3A_188 = arith.constant 10000 : i32
      %mul3A_189 = arith.muli %arg0, %mul3A_188 : i32
      %add3A_190 = arith.addi %mul3A_189, %mul3A_4 : i32
      "tpu.region"() ({
        %run_scoped3A = tpu.sem_alloc : memref<!tpu.dma_semaphore, #tpu.memory_space<semaphore_mem>>
        %dma_start3A_191 = arith.constant 0 : i32
        %dma_start3A_192 = tpu.memref_slice %arg4[%add3A_190, %dma_start3A_191] : memref<20000x128xf32, #tpu.memory_space<hbm>> -> memref<640x128xf32, #tpu.memory_space<hbm>>
        %dma_start3A_193 = arith.constant 0 : i32
        %dma_start3A_194 = tpu.memref_slice %arg5[%mul3A_4, %dma_start3A_193] : memref<10240x128xf32, #tpu.memory_space<vmem_shared>> -> memref<640x128xf32, #tpu.memory_space<vmem_shared>>
        tpu.enqueue_dma source(%dma_start3A_194 : memref<640x128xf32, #tpu.memory_space<vmem_shared>>) target(%dma_start3A_192 : memref<640x128xf32, #tpu.memory_space<hbm>>) target_semaphore(%run_scoped3A : memref<!tpu.dma_semaphore, #tpu.memory_space<semaphore_mem>>)
        %dma_wait3A_195 = arith.constant 0 : i32
        %dma_wait3A_196 = tpu.memref_slice %arg4[%add3A_190, %dma_wait3A_195] : memref<20000x128xf32, #tpu.memory_space<hbm>> -> memref<640x128xf32, #tpu.memory_space<hbm>>
        %dma_wait3A_197 = arith.constant 0 : i32
        %dma_wait3A_198 = tpu.memref_slice %arg5[%mul3A_4, %dma_wait3A_197] : memref<10240x128xf32, #tpu.memory_space<vmem_shared>> -> memref<640x128xf32, #tpu.memory_space<vmem_shared>>
        tpu.wait_dma2 semaphore(%run_scoped3A : memref<!tpu.dma_semaphore, #tpu.memory_space<semaphore_mem>>) src(%dma_wait3A_198 : memref<640x128xf32, #tpu.memory_space<vmem_shared>>) dst(%dma_wait3A_196 : memref<640x128xf32, #tpu.memory_space<hbm>>)
        tpu.yield
      }) : () -> ()
    } else {
    }
    return
  }
}

module attributes {stable_mosaic.version = 14 : i64} {
  func.func @_tc_linear_body(%arg0: i32, %arg1: memref<2x10000x128xf32, #tpu.memory_space<vmem>>, %arg2: memref<128x128xf32, #tpu.memory_space<vmem>>, %arg3: memref<10000x128xf32, #tpu.memory_space<vmem>>) attributes {dimension_semantics = [#tpu.dimension_semantics<arbitrary>], iteration_bounds = array<i64: 1>, scalar_prefetch = 0 : i64, scratch_operands = 0 : i64, tpu.core_type = #tpu.core_type<tc>, window_params = [{transform_indices = @transform_0, window_bounds = array<i64: 2, 10000, 128>}, {pipeline_mode = #tpu.pipeline_mode<synchronous>, transform_indices = @transform_1, window_bounds = array<i64: 128, 128>}, {transform_indices = @transform_2, window_bounds = array<i64: 10000, 128>}]} {
    %get3A = arith.constant 0 : index
    %get3A_0 = arith.constant 0 : index
    %get3A_1 = arith.constant 0 : index
    %get3A_2 = vector.load %arg1[%get3A, %get3A_0, %get3A_1] : memref<2x10000x128xf32, #tpu.memory_space<vmem>>, vector<1x10000x128xf32>
    %get3A_3 = vector.shape_cast %get3A_2 : vector<1x10000x128xf32> to vector<10000x128xf32>
    %get3A_4 = arith.constant 1 : index
    %get3A_5 = arith.constant 0 : index
    %get3A_6 = arith.constant 0 : index
    %get3A_7 = vector.load %arg1[%get3A_4, %get3A_5, %get3A_6] : memref<2x10000x128xf32, #tpu.memory_space<vmem>>, vector<1x10000x128xf32>
    %get3A_8 = vector.shape_cast %get3A_7 : vector<1x10000x128xf32> to vector<10000x128xf32>
    %add3A = arith.addf %get3A_3, %get3A_8 : vector<10000x128xf32>
    %get3A_9 = arith.constant 0 : index
    %get3A_10 = arith.constant 0 : index
    %get3A_11 = vector.load %arg2[%get3A_9, %get3A_10] : memref<128x128xf32, #tpu.memory_space<vmem>>, vector<128x128xf32>
    %dot_general3A = arith.constant dense<0.000000e+00> : vector<10000x128xf32>
    %dot_general3A_12 = tpu.matmul %add3A, %get3A_11, %dot_general3A {dimension_numbers = #tpu.dot_dimension_numbers<[1], [0], [0], [1], [0, 0, 1, 1], [], []>, transpose_lhs_hint = false} : vector<10000x128xf32>, vector<128x128xf32>, vector<10000x128xf32> -> vector<10000x128xf32>
    %swap3A = arith.constant 0 : index
    %swap3A_13 = arith.constant 0 : index
    %swap3A_14 = vector.load %arg3[%swap3A, %swap3A_13] : memref<10000x128xf32, #tpu.memory_space<vmem>>, vector<10000x128xf32>
    tpu.vector_store %arg3[%swap3A, %swap3A_13], %dot_general3A_12 {strides = array<i32>} : memref<10000x128xf32, #tpu.memory_space<vmem>>, vector<10000x128xf32>,
    return
  }
  func.func @transform_0(%arg0: i32) -> (i32, i32, i32) {
    %c0_i32 = arith.constant 0 : i32
    %c0_i32_0 = arith.constant 0 : i32
    %c0_i32_1 = arith.constant 0 : i32
    return %c0_i32, %arg0, %c0_i32_0 : i32, i32, i32
  }
  func.func @transform_1(%arg0: i32) -> (i32, i32) {
    %c0_i32 = arith.constant 0 : i32
    %c0_i32_0 = arith.constant 0 : i32
    %c0_i32_1 = arith.constant 0 : i32
    return %c0_i32, %c0_i32_0 : i32, i32
  }
  func.func @transform_2(%arg0: i32) -> (i32, i32) {
    %c0_i32 = arith.constant 0 : i32
    %c0_i32_0 = arith.constant 0 : i32
    return %arg0, %c0_i32 : i32, i32
  }
}

</mosaic_0001>

<sc_bundles>
// kernel: kernel.4.cloned.1.call-start
scs
__scs_entry_jumppad:
0x0: {  	(pc) =	sbr.rel $0x88, $3  }
0x1: {  	(tag) =	ssettag $0x0;
	lr =	simm.s32 $0x1  }
0x2: {  	[smem:$0x3F9E] =	sst lr;
	_ =	strace $0xD0000000  }
0x3: {  	_ = 	snop  }
0x4: {  	_ = 	snop  }
0x5: {  	_ = 	snop  }
0x6: {  	_ = 	snop  }
0x7: {  	_ = 	snop  }
__scs_overlays_trampoline_lowered:
0x8: {  	[smem:$0x3FAD] =	sst s0  }
0x9: {  	[smem:$0x3FAE] =	sst s1  }
0xa: {  	[smem:$0x3FAF] =	sst s2  }
0xb: {  	[smem:$0x3FB0] =	sst s3  }
0xc: {  	[smem:$0x3FB1] =	sst s4  }
0xd: {  	[smem:$0x3FB2] =	sst s5  }
0xe: {  	[smem:$0x3FB3] =	sst s6  }
0xf: {  	[smem:$0x3FB4] =	sst s7  }
0x10: {  	[smem:$0x3FB5] =	sst s8  }
0x11: {  	[smem:$0x3FB6] =	sst s9;
	s0 =	simm.s32 @!p0 $0x0  }
0x12: {  	s1 =	sld [smem:$0x3F9C];
	s0 =	simm.s32 @p0 $0x1  }
0x13: {  	[smem:$0x3FB7] =	sst s0;
	s0 =	simm.s32 @!p1 $0x0  }
0x14: {  	s2 =	sld [smem:$0x3F9B];
	s0 =	simm.s32 @p1 $0x1  }
0x15: {  	[smem:$0x3FB8] =	sst s0;
	s0 =	simm.s32 @!p2 $0x0  }
0x16: {  	s3 =	sld [smem:$0x3FDB];
	s0 =	simm.s32 @p2 $0x1  }
0x17: {  	s4 =	simm.s32 $0x1BF5;
	[smem:$0x3FBA] =	sst s0  }
0x18: {  	s0 =	sld [smem:$0x3F9D];
	_ =	swait.ge [sflag:s4], $0x0  }
0x19: {  	s7 =	sld [smem:$0x3F9E]  }
0x1a: {  	s8 =	sadd.s32 $0xFFFFE003, lr  }
0x1b: {  	s9 =	sadd.s32 $0xFFFFFEF7, lr;
	s5 =	simm.s32 $0xFFFFFFFF;
	p2 =	slt.u32 s8, $0xFFFFF086  }
0x1c: {  	p1 =	slt.u32 s9, $0xF7A;
	s5 =	simm.s32 @!p2 $0x0  }
0x1d: {  	s5 =	simm.s32 @p1 $0x1;
	p0 =	seq.s32 s7, s2  }
0x1e: {  	s7 =	smul.u32 @!p0 $0xF7A, s2;
	p2 =	seq.s32 @!p0 s5, $0x0  }
0x1f: {  	s9 =	smul.u32 $0xF7A, s1;
	s8 =	simm.s32 @!p0 $0x1BF5;
	p2 =	por !p2, p0  }
0x20: {  	[sflag:s8] =	ssyncset.s32 @!p0 $0xFFFFF086;
	s6 =	sadd.s32 @!p0 s3, s7;
	s7 =	simm.s32 @!p0 $0x108  }
0x21: {  	s3 =	sadd.s32 s3, s9;
	s6 =	sadd.s32 @!p0 $0x88, s6;
	s7 =	simm.s32 @p2 $0x1082  }
0x22: {  	[simem:s7], [sflag:s8] =	dma.local @!p0 [hbm:s6], $0xF7A  }
0x23: {  	s9 =	sor.u32 $0xD0000000, s2;
	s6 =	simm.s32 $0x108;
	_ =	swait.ge @!p0 [sflag:s8], $0x0  }
0x24: {  	s3 =	sadd.s32 $0x88, s3;
	s6 =	simm.s32 @!p1 $0x1082;
	[sflag:s4] =	ssyncset.s32 $0xFFFFF086  }
0x25: {  	[simem:s6], [sflag:s4] =	dma.local [hbm:s3], $0xF7A  }
0x26: {  	[smem:$0x3F9E] =	sst s1;
	(tag) =	ssettag s2;
	_ =	strace s9  }
0x27: {  	s1 =	sld [smem:$0x3FAE]  }
0x28: {  	s2 =	sld [smem:$0x3FAF]  }
0x29: {  	s4 =	sld [smem:$0x3FB1]  }
0x2a: {  	p0 =	seq.s32 s5, $0x0;
	s5 =	sld [smem:$0x3FB2]  }
0x2b: {  	s6 =	sld [smem:$0x3FB3]  }
0x2c: {  	s7 =	sld [smem:$0x3FB4]  }
0x2d: {  	s3 =	simm.s32 $0x108;
	s8 =	sld [smem:$0x3FB5]  }
0x2e: {  	s3 =	simm.s32 @!p0 $0x1082;
	s9 =	sld [smem:$0x3FB6]  }
0x2f: {  	lr =	sadd.s32 s0, s3;
	s0 =	sld [smem:$0x3FAD]  }
0x30: {  	s3 =	sld [smem:$0x3FB0]  }
0x31: {  	[smem:$0x3FB9] =	sst s10  }
0x32: {  	s10 =	sld [smem:$0x3FB7];
	_ =	sdelay $0x3  }
0x33: {  	p0 =	seq.s32 s10, $0x1;
	s10 =	sld [smem:$0x3FB9];
	_ =	sdelay $0x3  }
0x34: {  	[smem:$0x3FB9] =	sst s10  }
0x35: {  	s10 =	sld [smem:$0x3FB8];
	_ =	sdelay $0x3  }
0x36: {  	p1 =	seq.s32 s10, $0x1;
	s10 =	sld [smem:$0x3FB9];
	_ =	sdelay $0x3  }
0x37: {  	[smem:$0x3FB9] =	sst s10  }
0x38: {  	s10 =	sld [smem:$0x3FBA]  }
0x39: {  	_ = 	snop;
	(pc) =	sbr.ind lr, $3  }
0x3a: {  	_ = 	snop  }
0x3b: {  	_ = 	snop  }
0x3c: {  	p2 =	seq.s32 s10, $0x1;
	s10 =	sld [smem:$0x3FB9]  }
0x3d: {  	_ =	shalt  }
0x3e: {  	_ =	shalt  }
0x3f: {  	_ =	shalt  }
0x40: {  	_ =	shalt  }
0x41: {  	_ =	shalt  }
0x42: {  	_ =	shalt  }
0x43: {  	_ =	shalt  }
0x44: {  	_ =	shalt  }
0x45: {  	_ =	shalt  }
0x46: {  	_ =	shalt  }
0x47: {  	_ =	shalt  }
0x48: {  	_ =	shalt  }
0x49: {  	_ =	shalt  }
0x4a: {  	_ =	shalt  }
0x4b: {  	_ =	shalt  }
0x4c: {  	_ =	shalt  }
0x4d: {  	_ =	shalt  }
0x4e: {  	_ =	shalt  }
0x4f: {  	_ =	shalt  }
0x50: {  	_ =	shalt  }
0x51: {  	_ =	shalt  }
0x52: {  	_ =	shalt  }
0x53: {  	_ =	shalt  }
0x54: {  	_ =	shalt  }
0x55: {  	_ =	shalt  }
0x56: {  	_ =	shalt  }
0x57: {  	_ =	shalt  }
0x58: {  	_ =	shalt  }
0x59: {  	_ =	shalt  }
0x5a: {  	_ =	shalt  }
0x5b: {  	_ =	shalt  }
0x5c: {  	_ =	shalt  }
0x5d: {  	_ =	shalt  }
0x5e: {  	_ =	shalt  }
0x5f: {  	_ =	shalt  }
0x60: {  	_ =	shalt  }
0x61: {  	_ =	shalt  }
0x62: {  	_ =	shalt  }
0x63: {  	_ =	shalt  }
0x64: {  	_ =	shalt  }
0x65: {  	_ =	shalt  }
0x66: {  	_ =	shalt  }
0x67: {  	_ =	shalt  }
0x68: {  	_ =	shalt  }
0x69: {  	_ =	shalt  }
0x6a: {  	_ =	shalt  }
0x6b: {  	_ =	shalt  }
0x6c: {  	_ =	shalt  }
0x6d: {  	_ =	shalt  }
0x6e: {  	_ =	shalt  }
0x6f: {  	_ =	shalt  }
0x70: {  	_ =	shalt  }
0x71: {  	_ =	shalt  }
0x72: {  	_ =	shalt  }
0x73: {  	_ =	shalt  }
0x74: {  	_ =	shalt  }
0x75: {  	_ =	shalt  }
0x76: {  	_ =	shalt  }
0x77: {  	_ =	shalt  }
0x78: {  	_ =	shalt  }
0x79: {  	_ =	shalt  }
0x7a: {  	_ =	shalt  }
0x7b: {  	_ =	shalt  }
0x7c: {  	_ =	shalt  }
0x7d: {  	_ =	shalt  }
0x7e: {  	_ =	shalt  }
0x7f: {  	_ =	shalt  }
0x80: {  	_ =	shalt  }
0x81: {  	_ =	shalt  }
0x82: {  	_ =	shalt  }
0x83: {  	_ =	shalt  }
0x84: {  	_ =	shalt  }
0x85: {  	_ =	shalt  }
0x86: {  	_ =	shalt  }
0x87: {  	_ =	shalt  }
.Lfunc_end0:
.L_simem_size_0:
called_computation_lowered:
.L_overlay_start_0:
0x88: {  	s2 =	sld [smem:$0x3FD9]  }
0x89: {  	s3 =	sld [smem:$0x3FFE];
	_ =	sdelay $0x1  }
0x8a: {  	s1 =	srdreg.scid  }
0x8b: {  	s0 =	sand.u32 $0x1, s1  }
0x8c: {  	s17 =	sshll.u32 s0, $0xA;
	s2 =	sadd.s32 s3, s2  }
0x8d: {  	s2 =	sadd.s32 s2, s17  }
0x8e: {  	[smem:$0x3FC5] =	sst s2  }
0x8f: {  	_ = 	snop  }
0x90: {  	s2 =	sld [smem:$0x3FC8]  }
0x91: {  	s18 =	sld [smem:$0x3FD0];
	(tm) =	ssettm $0x1  }
0x92: {  	s4 =	sld [smem:$0x3FFB];
	_ =	sdelay $0x3  }
0x93: {  	_ =	strace s4  }
0x94: {  	s4 =	sld [smem:$0x3FFC];
	_ =	sdelay $0x3  }
0x95: {  	_ =	strace s4  }
0x96: {  	s4 =	sld [smem:$0x3FFD];
	_ =	sdelay $0x3  }
0x97: {  	_ =	strace s4  }
0x98: {  	_ =	strace $0x8FFFFFFF  }
0x99: {  	s19 =	sld [smem:$0x3FDB];
	_ =	sdelay $0x1  }
0x9a: {  	s5 =	simm.s32 $_scs_section_size  }
0x9b: {  	s6 =	simm.s32 $_size__tile_overlayer_lowered;
	s7 =	simm.s32 $_tile_overlayer_lowered  }
0x9c: {  	s22 =	simm.s32 $0x1BFF;
	s21 =	sshll.u32 s7, $0x1;
	s4 =	sadd.s32 s5, s19  }
0x9d: {  	s8 =	simm.s32 $0x0;
	s20 =	sshll.u32 s6, $0x1;
	s6 =	sadd.s32 s21, s4  }
0x9e: {  	[timem:s8], [sflag:s22] =	dma.local [hbm:s6], s20  }
0x9f: {  	_ =	swait.ge [sflag:s22], s20  }
0xa0: {  	s5 =	ssub.s32 $0x0, s20;
	[sflag:s22] =	ssyncset.done $0x0  }
0xa1: {  	[sflag:s22] =	ssyncadd.s32 s5;
	_ =	sdelay $0x1  }
0xa2: {  	s23 =	simm.s32 $0x1B8B  }
0xa3: {  	_ =	swait.ge [sflag:s23], $0x1  }
0xa4: {  	[sflag:s23] =	ssyncset.done $0x0  }
0xa5: {  	s25 =	simm.s32 $0x1B8E;
	s24 =	sld [smem:$0x3FFE];
	[sflag:s23] =	ssyncadd.s32 $0xFFFFFFFF  }
0xa6: {  	s26 =	simm.s32 $execute0_lowered;
	[smem:$0x3FD2] =	sst s25  }
0xa7: {  	s6 =	sshll.u32 s26, $0x1;
	_ =	strace $0x80000046;
	[dreg:$0x1] =	wrdreg $0xFFFFFFFF  }
0xa8: {  	s28 =	simm.s32 $_size_execute0_lowered;
	s4 =	sadd.s32 s4, s6;
	[dreg:$0x0] =	wrdreg $0x0  }
0xa9: {  	s6 =	sshll.u32 s28, $0x1;
	[dreg:$0x2] =	wrdreg s4  }
0xaa: {  	[dreg:$0x3] =	wrdreg s6  }
0xab: {  	[dreg:$0x4] =	wrdreg $0xC0  }
0xac: {  	_ =	task [dreg:s8], $0x5FFFF  }
0xad: {  	[dreg:$0x1] =	wrdreg $0xFFFFFFFF  }
0xae: {  	[dreg:$0x0] =	wrdreg $0x60  }
0xaf: {  	[dreg:$0x2] =	wrdreg s18  }
0xb0: {  	[dreg:$0x3] =	wrdreg s2  }
0xb1: {  	[dreg:$0x4] =	wrdreg s24  }
0xb2: {  	[dreg:$0x5] =	wrdreg $0x0  }
0xb3: {  	[dreg:$0x6] =	wrdreg $0x9  }
0xb4: {  	_ =	task.clear_ibuf [dreg:s8], $0x7FFFF;
	_ =	strace $0x90000046  }
0xb5: {  	s29 =	simm.s32 $0x9;
	_ =	strace $0x80000048  }
0xb6: {  	_ =	swait.ge [sflag:s29], $0x1  }
0xb7: {  	[sflag:s29] =	ssyncadd.s32 $0xFFFFFFFF  }
0xb8: {  	_ =	strace $0x90000048  }
0xb9: {  	_ =	sfence  }
0xba: {  	s30 =	sld [smem:$0x0];
	_ =	sdelay $0x2  }
0xbb: {  	s31 =	sshll.u32 s1, $0xD;
	s1 =	sshrl.u32 s1, $0x2  }
0xbc: {  	s3 =	sand.u32 $0x4000, s31;
	s1 =	sadd.s32 s1, s30  }
0xbd: {  	s0 =	sor.u32 s3, s0;
	s1 =	sshll.u32 s1, $0x11  }
0xbe: {  	s0 =	sor.u32 s1, s0  }
0xbf: {  	s0 =	sadd.s32 $0x8F2B, s0  }
0xc0: {  	[sflag:s0] =	ssyncadd.remote.s32 $0x1  }
0xc1: {  	_ =	sfence.sel $0xFFFF  }
0xc2: {  	[dreg:$0x0] =	wrdreg $0xFFFFFFFF;
	(pc) =	sbr.abs _section_cstart, $3  }
0xc3: {  	[dreg:$0x1] =	wrdreg $0xFFFFFFFF  }
0xc4: {  	_ =	task.clear_ibuf [dreg:s8], $0x2FFFF;
	_ =	strace $0x9FFFFFFF  }
0xc5: {  	(tm) =	ssettm $0x7FFFFFFF  }
tec
execute0_lowered:
.L_overlay_start_1:
0x0: {  	(tag) =	ssettag $0x1  }
0x1: {  	s0 =	rddreg [dreg:$0x0]  }
0x2: {  	s2 =	rddreg [dreg:$0x1]  }
0x3: {  	s4 =	rddreg [dreg:$0x2]  }
0x4: {  	s1 =	rddreg [dreg:$0x3];
	s3 =	srdreg.scid  }
0x5: {  	s26 =	stileid.u32;
	s18 =	simm.s32 $0x16710;
	s19 =	simm.s32 $0x1B310  }
0x6: {  	s29 =	simm.s32 $0x16698;
	s30 =	simm.s32 $0x0;
	s8 =	smul.u32 $0x50000, s26  }
0x7: {  	s10 =	sand.u32 $0x1, s3;
	s3 =	simm.s32 $0x0;
	s12 =	smul.u32 $0x2800, s26  }
0x8: {  	s13 =	sadd.s32 $0x800, s4;
	s16 =	smul.u32 $0x2710, s26;
	p0 =	sne.s32 s26, $0xF  }
0x9: {  	s5 =	sshll.u32 s10, $0x4;
	[smem:$0x7FF] =	sst s3;
	s15 =	smul.u32 $0x27100, s10  }
0xa: {  	s20 =	ssub.s32 $0x2, s10;
	s17 =	smul.u32 $0x138800, s10;
	s6 =	sor.u32 s26, s5  }
0xb: {  	_ =	strace $0x80000047;
	s21 =	sshrl.u32 s20, $0x1;
	s7 =	smul.u32 $0x2710, s6  }
0xc: {  	s24 =	sshrl.u32 s8, $0x2;
	s14 =	ssub.s32 s20, s21;
	s23 =	smul.u32 $0x27100, s6  }
0xd: {  	s5 =	sadd.s32 s24, s1;
	s25 =	smul.u32 $0x138800, s6;
	s28 =	sadd.s32 s16, s15  }
0xe: {  	s12 =	sadd.s32 s12, s15;
	s31 =	sshrl.u32 s17, $0x3;
	s20 =	simm.s32 $0x4  }
0xf: {  	s21 =	simm.s32 $0x3;
	s24 =	simm.s32 $0x5;
	s8 =	sadd.s32 $0x8000, s5  }
0x10: {  	s9 =	sadd.s32 $0xC000, s5;
	s10 =	sadd.s32 $0x10000, s5;
	s22 =	sshrl.u32 s7, $0x3  }
0x11: {  	s12 =	sadd.s32 s13, s12;
	s13 =	sadd.s32 s13, s31;
	s0 =	sadd.s32 s0, s22  }
0x12: {  	s14 =	smax.u32 s14, $0x1;
	s4 =	sadd.s32 $0x9C40, s0;
	s0 =	sshrl.u32 s25, $0x3  }
0x13: {  	s6 =	sadd.s32 s2, s23;
	s7 =	sadd.s32 $0x4000, s5;
	s0 =	sadd.s32 s2, s0  }
0x14: {  	s13 =	sadd.s32 $0x25800, s13;
	s11 =	sadd.s32 $0x26980, s0;
	s0 =	sshll.u32 s28, $0x4  }
0x15: {  	s23 =	simm.s32 $0x98;
	s22 =	simm.s32 $0x1;
	s0 =	sadd.s32 s2, s0  }
0x16: {  	v0 =	vimm.f32 $0.0e+00;
	s25 =	simm.s32 $0x2;
	s15 =	sadd.s32 $0x1300, s0;
	s16 =	sadd.s32 $0x980, s0  }
.LBB2_1:
0x17: {  	s0 =	simm.s32 $0x14000  }
0x18: {  	[tilespmem:s0], [sflag:$0x3] =	stream.linear.gather [hbm4b:s4+s3], $0x2710, $0x38;
	[tilespmem:$0x1FF10] =	vst v63  }
0x19: {  	s31 =	simm.s32 $0x200;
	s0 =	simm.s32 $0x0  }
0x1a: {  	[tilespmem:s18], [sflag:$0x1] =	stream.linear.gather [hbm4b:s6+s3], $0x4C00, $0x38;
	[tilespmem:$0x1FF10] =	vst v63  }
.LBB2_2:
0x1b: {  	p1 =	sne.s32 s31, $0xFE00;
	[tilespmem:s0+$0x1B380] =	vst v0  }
0x1c: {  	[tilespmem:s0+$0x1B310] =	vst v0  }
0x1d: {  	[tilespmem:s0+$0x1B320] =	vst v0  }
.Ltmp0:
0x1e: {  	[tilespmem:s0+$0x1B330] =	vst v0;
	(pc) =	sbr.rel @p1 .LBB2_2-.Ltmp0, $4  }
0x1f: {  	[tilespmem:s0+$0x1B340] =	vst v0  }
0x20: {  	[tilespmem:s0+$0x1B350] =	vst v0  }
0x21: {  	[tilespmem:s0+$0x1B360] =	vst v0  }
0x22: {  	[tilespmem:s0+$0x1B370] =	vst v0;
	s0 =	sshra.s32 s31, $0x2;
	s31 =	sadd.s32 $0x200, s31  }
0x23: {  	[tilespmem:s0+$0x1B380] =	vst v0  }
0x24: {  	[tilespmem:s0+$0x1B310] =	vst v0  }
0x25: {  	[tilespmem:s0+$0x1B320] =	vst v0  }
0x26: {  	[tilespmem:s0+$0x1B330] =	vst v0  }
0x27: {  	[tilespmem:s0+$0x1B340] =	vst v0  }
0x28: {  	[tilespmem:s0+$0x1B350] =	vst v0  }
0x29: {  	[tilespmem:s0+$0x1B360] =	vst v0  }
0x2a: {  	[tilespmem:s0+$0x1B370] =	vst v0  }
0x2b: {  	[spmem:s5] =	stream.linear.scatter [tilespmem:s19], [sflag:$0x4], $0x4000, $0x38;
	[tilespmem:$0x1FF10] =	vst v63  }
0x2c: {  	_ = 	snop  }
0x2d: {  	[spmem:s7] =	stream.linear.scatter [tilespmem:s19], [sflag:$0x4], $0x4000, $0x38;
	[tilespmem:$0x1FF10] =	vst v63  }
0x2e: {  	_ = 	snop  }
0x2f: {  	[spmem:s8] =	stream.linear.scatter [tilespmem:s19], [sflag:$0x4], $0x4000, $0x38;
	[tilespmem:$0x1FF10] =	vst v63  }
0x30: {  	_ = 	snop  }
0x31: {  	[spmem:s9] =	stream.linear.scatter [tilespmem:s19], [sflag:$0x4], $0x4000, $0x38;
	[tilespmem:$0x1FF10] =	vst v63  }
0x32: {  	_ = 	snop  }
0x33: {  	[spmem:s10] =	stream.linear.scatter [tilespmem:s19], [sflag:$0x4], $0x4000, $0x38;
	[tilespmem:$0x1FF10] =	vst v63  }
0x34: {  	_ =	swait.ge [sflag:s20], $0x4000  }
0x35: {  	[sflag:s20] =	ssyncset.done $0x0  }
0x36: {  	[sflag:s20] =	ssyncadd.s32 $0xFFFFC000  }
0x37: {  	_ =	swait.ge [sflag:s20], $0x4000  }
0x38: {  	[sflag:s20] =	ssyncset.done $0x0  }
0x39: {  	[sflag:s20] =	ssyncadd.s32 $0xFFFFC000  }
0x3a: {  	_ =	swait.ge [sflag:s20], $0x4000  }
0x3b: {  	[sflag:s20] =	ssyncset.done $0x0  }
0x3c: {  	[sflag:s20] =	ssyncadd.s32 $0xFFFFC000  }
0x3d: {  	_ =	swait.ge [sflag:s20], $0x4000  }
0x3e: {  	[sflag:s20] =	ssyncset.done $0x0  }
0x3f: {  	[sflag:s20] =	ssyncadd.s32 $0xFFFFC000  }
0x40: {  	_ =	swait.ge [sflag:s20], $0x4000  }
0x41: {  	[sflag:s20] =	ssyncset.done $0x0  }
0x42: {  	[sflag:s20] =	ssyncadd.s32 $0xFFFFC000  }
0x43: {  	_ =	swait.ge [sflag:s21], $0x2710  }
0x44: {  	[sflag:s21] =	ssyncset.done $0x0  }
0x45: {  	[sflag:s21] =	ssyncadd.s32 $0xFFFFD8F0  }
0x46: {  	s2 =	sadd.s32 $0x0, s16;
	[bflag:$0x0] =	sbarrier.arrive $0xFFFF  }
0x47: {  	[tilespmem:s19], [sflag:$0x2] =	stream.linear.gather [hbm4b:s2+s3], $0x4C00, $0x38;
	[tilespmem:$0x1FF10] =	vst v63  }
0x48: {  	_ =	swait.ge [sflag:s22], $0x4C00  }
0x49: {  	[sflag:s22] =	ssyncset.done $0x0  }
0x4a: {  	s17 =	simm.s32 $0x14000;
	[sflag:s22] =	ssyncadd.s32 $0xFFFFB400  }
0x4b: {  	[spmem:s1] =	stream.indirect.scatter.add.f32 [tilespmem:s18], [sflag:$0x5], $0x80, s17, s23, $0xb8;
	[tilespmem:$0x1FF10] =	vst v63  }
0x4c: {  	_ =	swait.ge [sflag:s24], $0x4C00  }
0x4d: {  	[sflag:s24] =	ssyncset.done $0x0  }
0x4e: {  	s26 =	sadd.s32 $0x0, s15;
	[sflag:s24] =	ssyncadd.s32 $0xFFFFB400  }
0x4f: {  	[tilespmem:s18], [sflag:$0x1] =	stream.linear.gather [hbm4b:s26+s3], $0x4C00, $0x38;
	[tilespmem:$0x1FF10] =	vst v63  }
0x50: {  	_ =	swait.ge [sflag:s25], $0x4C00  }
0x51: {  	[sflag:s25] =	ssyncset.done $0x0  }
0x52: {  	s28 =	simm.s32 $0x14098;
	[sflag:s25] =	ssyncadd.s32 $0xFFFFB400  }
0x53: {  	[spmem:s1] =	stream.indirect.scatter.add.f32 [tilespmem:s19], [sflag:$0x5], $0x80, s28, s23, $0xb8;
	[tilespmem:$0x1FF10] =	vst v63  }
0x54: {  	s0 =	simm.s32 $0x1300;
	_ =	swait.ge [sflag:s24], $0x4C00  }
0x55: {  	s31 =	simm.s32 $0x14130;
	s2 =	simm.s32 $0x2600;
	[sflag:s24] =	ssyncset.done $0x0  }
.LBB2_4:
0x56: {  	s17 =	sadd.s32 s0, s16  }
0x57: {  	[sflag:s24] =	ssyncadd.s32 $0xFFFFB400;
	s26 =	smov.u32 s2;
	s28 =	sadd.s32 $0x1300, s2  }
0x58: {  	[tilespmem:s19], [sflag:$0x2] =	stream.linear.gather [hbm4b:s17+s3], $0x4C00, $0x38;
	[tilespmem:$0x1FF10] =	vst v63  }
0x59: {  	p1 =	sne.s32 s2, $0x24D00;
	_ =	swait.ge [sflag:s22], $0x4C00  }
0x5a: {  	[sflag:s22] =	ssyncset.done $0x0  }
0x5b: {  	[sflag:s22] =	ssyncadd.s32 $0xFFFFB400  }
0x5c: {  	[spmem:s1] =	stream.indirect.scatter.add.f32 [tilespmem:s18], [sflag:$0x5], $0x80, s31, s23, $0xb8;
	[tilespmem:$0x1FF10] =	vst v63  }
0x5d: {  	_ =	swait.ge [sflag:s24], $0x4C00  }
0x5e: {  	[sflag:s24] =	ssyncset.done $0x0  }
0x5f: {  	s2 =	sadd.s32 s0, s15;
	s0 =	smov.u32 s26;
	[sflag:s24] =	ssyncadd.s32 $0xFFFFB400  }
0x60: {  	[tilespmem:s18], [sflag:$0x1] =	stream.linear.gather [hbm4b:s2+s3], $0x4C00, $0x38;
	[tilespmem:$0x1FF10] =	vst v63  }
0x61: {  	_ =	swait.ge [sflag:s25], $0x4C00  }
.Ltmp1:
0x62: {  	[sflag:s25] =	ssyncset.done $0x0;
	(pc) =	sbr.rel @p1 .LBB2_4-.Ltmp1, $4  }
0x63: {  	s2 =	sadd.s32 $0x98, s31;
	[sflag:s25] =	ssyncadd.s32 $0xFFFFB400  }
0x64: {  	[spmem:s1] =	stream.indirect.scatter.add.f32 [tilespmem:s19], [sflag:$0x5], $0x80, s2, s23, $0xb8;
	[tilespmem:$0x1FF10] =	vst v63  }
0x65: {  	_ =	swait.ge [sflag:s24], $0x4C00  }
0x66: {  	s31 =	sadd.s32 $0x130, s31;
	s2 =	smov.u32 s28;
	[sflag:s24] =	ssyncset.done $0x0  }
0x67: {  	s2 =	sadd.s32 s0, s16;
	[sflag:s24] =	ssyncadd.s32 $0xFFFFB400  }
0x68: {  	[tilespmem:s19], [sflag:$0x2] =	stream.linear.gather [hbm4b:s2+s3], $0x4C00, $0x38;
	[tilespmem:$0x1FF10] =	vst v63  }
0x69: {  	_ =	swait.ge [sflag:s22], $0x4C00  }
0x6a: {  	[sflag:s22] =	ssyncset.done $0x0  }
0x6b: {  	[sflag:s22] =	ssyncadd.s32 $0xFFFFB400  }
0x6c: {  	[spmem:s1] =	stream.indirect.scatter.add.f32 [tilespmem:s18], [sflag:$0x5], $0x80, s31, s23, $0xb8;
	[tilespmem:$0x1FF10] =	vst v63  }
0x6d: {  	_ =	swait.ge [sflag:s24], $0x4C00  }
0x6e: {  	[sflag:s24] =	ssyncset.done $0x0  }
0x6f: {  	s17 =	sadd.s32 s0, s15;
	[sflag:s24] =	ssyncadd.s32 $0xFFFFB400  }
0x70: {  	[tilespmem:s18], [sflag:$0x1] =	stream.linear.gather [hbm4b:s17+s3], $0x4C00, $0x38;
	[tilespmem:$0x1FF10] =	vst v63  }
0x71: {  	_ =	swait.ge [sflag:s25], $0x4C00  }
0x72: {  	[sflag:s25] =	ssyncset.done $0x0  }
0x73: {  	s26 =	sadd.s32 $0x98, s31;
	[sflag:s25] =	ssyncadd.s32 $0xFFFFB400  }
0x74: {  	[spmem:s1] =	stream.indirect.scatter.add.f32 [tilespmem:s19], [sflag:$0x5], $0x80, s26, s23, $0xb8;
	[tilespmem:$0x1FF10] =	vst v63  }
0x75: {  	_ =	swait.ge [sflag:s24], $0x4C00  }
0x76: {  	[sflag:s24] =	ssyncset.done $0x0  }
0x77: {  	[sflag:s24] =	ssyncadd.s32 $0xFFFFB400  }
0x78: {  	[tilespmem:s19], [sflag:$0x2] =	stream.linear.gather [hbm4b:s11+s3], $0x3C00, $0x38;
	[tilespmem:$0x1FF10] =	vst v63  }
0x79: {  	_ =	swait.ge [sflag:s22], $0x4C00  }
0x7a: {  	[sflag:s22] =	ssyncset.done $0x0  }
0x7b: {  	s28 =	simm.s32 $0x16600;
	[sflag:s22] =	ssyncadd.s32 $0xFFFFB400  }
0x7c: {  	[spmem:s1] =	stream.indirect.scatter.add.f32 [tilespmem:s18], [sflag:$0x5], $0x80, s28, s23, $0xb8;
	[tilespmem:$0x1FF10] =	vst v63  }
0x7d: {  	_ =	swait.ge [sflag:s24], $0x4C00  }
0x7e: {  	[sflag:s24] =	ssyncset.done $0x0  }
0x7f: {  	[sflag:s24] =	ssyncadd.s32 $0xFFFFB400  }
0x80: {  	_ =	swait.ge [sflag:s25], $0x3C00  }
0x81: {  	[sflag:s25] =	ssyncset.done $0x0  }
0x82: {  	s31 =	simm.s32 $0x78;
	[sflag:s25] =	ssyncadd.s32 $0xFFFFC400  }
0x83: {  	[spmem:s1] =	stream.indirect.scatter.add.f32 [tilespmem:s19], [sflag:$0x5], $0x80, s29, s31, $0xb8;
	[tilespmem:$0x1FF10] =	vst v63  }
0x84: {  	_ =	swait.ge [sflag:s24], $0x3C00  }
0x85: {  	s0 =	stileid.u32;
	[sflag:s24] =	ssyncset.done $0x0  }
0x86: {  	s0 =	sshll.u32 @p0 s0, $0x6;
	[sflag:s24] =	ssyncadd.s32 $0xFFFFC400  }
0x87: {  	s2 =	sshrl.u32 @p0 s5, $0x3;
	s0 =	sor.u32 @p0 $0x1C05, s0;
	[bflag:$0x0] =	sbarrier.arrive $0xFFFF  }
0x88: {  	[hbm:s12], [sflag:s0] =	dma.local @p0 [spmem:s2], $0x2800  }
0x89: {  	s0 =	simm.s32 @p0 $0x5  }
0x8a: {  	s30 =	sadd.s32 $0x1, s30;
	_ =	swait.ge @p0 [sflag:s0], $0x2800  }
0x8b: {  	p1 =	sne.s32 s30, s14;
	[sflag:s0] =	ssyncset.done @p0 $0x0  }
0x8c: {  	s2 =	simm.s32 @!p0 $0x1FC5;
	[sflag:s0] =	ssyncadd.s32 @p0 $0xFFFFD800;
	s0 =	sshrl.u32 @!p0 s5, $0x3  }
0x8d: {  	[hbm:s13], [sflag:s2] =	dma.local @!p0 [spmem:s0], $0x1900  }
.Ltmp2:
0x8e: {  	_ = 	snop;
	(pc) =	sbr.rel @p1 .LBB2_1-.Ltmp2, $4  }
0x8f: {  	s0 =	simm.s32 @!p0 $0x5  }
0x90: {  	_ =	swait.ge @!p0 [sflag:s0], $0x1900  }
0x91: {  	[sflag:s0] =	ssyncset.done @!p0 $0x0  }
0x92: {  	[sflag:s0] =	ssyncadd.s32 @!p0 $0xFFFFE700  }
0x93: {  	_ =	sfence.sel $0x180000  }
0x94: {  	[bflag:$0x0] =	sbarrier.arrive $0xFFFF  }
0x95: {  	_ =	strace $0x90000047  }
0x96: {  	s0 =	stileid.u32;
	[bflag:$0x2] =	sbarrier.arrive $0xFFFF  }
0x97: {  	p0 =	sne.s32 s0, $0x0;
	s0 =	rddreg [dreg:$0x4]  }
0x98: {  	s0 =	sadd.s32 @!p0 $0x100000, s0  }
0x99: {  	[sflag:s0] =	ssyncadd.tile.s32 @!p0 $0x1;
	_ =	shalt  }
.Lfunc_end2:
_tile_overlayer_lowered:
.L_overlay_start_2:
0x9a: {  	(tag) =	ssettag $0x2  }
0x9b: {  	s0 =	rddreg [dreg:$0x0];
	s2 =	stileid.u32  }
0x9c: {  	s1 =	rddreg [dreg:$0x1];
	p0 =	sne.s32 s2, $0x0  }
0x9d: {  	s3 =	rddreg [dreg:$0x2];
	[bflag:$0x3] =	sbarrier.arrive $0xFFFF;
	s2 =	simm.s32 @!p0 $0x1C05  }
0x9e: {  	[timem:s3], [sflag:s2] =	dma.local @!p0 [hbm:s0], s1  }
0x9f: {  	s0 =	simm.s32 @!p0 $0x5  }
0xa0: {  	_ =	swait.ge @!p0 [sflag:s0], s1  }
0xa1: {  	s1 =	ssub.s32 @!p0 $0x0, s1;
	[sflag:s0] =	ssyncset.done @!p0 $0x0  }
0xa2: {  	[sflag:s0] =	ssyncadd.s32 @!p0 s1  }
0xa3: {  	[bflag:$0x3] =	sbarrier.arrive $0xFFFF  }
0xa4: {  	_ =	shalt  }

</sc_bundles>
